<compile_context>
chip_gen: v7x
topology: tpu7x:2x2x1
jax: 0.10.2.dev20260603
libtpu: 0.0.44.dev20260713+nightly
codegen_flags: <defaults>
</compile_context>

<pallas_src>
import functools

import jax
import jax.numpy as jnp
from jax import lax
from jax.experimental import pallas as pl
from jax.experimental.pallas import tpu as pltpu
from jax.experimental.pallas import tpu_sc as plsc

N_CAMS = 16384
N_VIEWS = 256
_NC = 2
_NS = 16
_NW = _NC * _NS
_CPW = N_CAMS // _NW
_L = 16
_GROUPS = _CPW // _L


def _rsqrt16(s):
    i = lax.bitcast_convert_type(s, jnp.int32)
    i = jnp.int32(0x5F3759DF) - lax.shift_right_arithmetic(i, 1)
    y = lax.bitcast_convert_type(i, jnp.float32)
    half_s = 0.5 * s
    for _ in range(3):
        y = y * (1.5 - half_s * y * y)
    return jnp.minimum(y, jnp.float32(1e12))


@functools.cache
def _make_sc_kernel():
    mesh = plsc.VectorSubcoreMesh(
        core_axis_name="c", subcore_axis_name="s", num_cores=_NC
    )

    @functools.partial(
        pl.kernel,
        mesh=mesh,
        out_type=jax.ShapeDtypeStruct((4, N_CAMS * 4), jnp.float32),
        scratch_types=[
            pltpu.VMEM((9, _L), jnp.float32),
            pltpu.VMEM((12, N_VIEWS), jnp.float32),
            pltpu.VMEM((_CPW,), jnp.int32),
            pltpu.VMEM((4, _CPW * 4), jnp.float32),
            pltpu.VMEM((4, _CPW * 4), jnp.float32),
            pltpu.VMEM((12, _L), jnp.float32),
            pltpu.VMEM_SHARED((12, N_VIEWS), jnp.float32),
            pltpu.SemaphoreType.DMA,
            pltpu.SemaphoreType.DMA,
        ],
        compiler_params=pltpu.CompilerParams(
            use_tc_tiling_on_sc=False, needs_layout_passes=False
        ),
    )
    def _sc_kernel(emb_hbm, vid_hbm, cam_hbm, out_hbm,
                   emb_v, tab_v, vid_v, cam_v, out_v, tloc_v, tab_sh,
                   sem_e, sem_vc):
        sid = lax.axis_index("s")
        wid = sid * _NC + lax.axis_index("c")
        row_len = _CPW * 4

        emb_cp = pltpu.async_copy(
            emb_hbm.at[:, pl.ds(sid * _L, _L)], emb_v, sem_e
        )
        vid_cp = pltpu.async_copy(
            vid_hbm.at[pl.ds(wid * _CPW, _CPW)], vid_v, sem_vc
        )
        cam_cp = pltpu.async_copy(
            cam_hbm.at[:, pl.ds(wid * row_len, row_len)], cam_v, sem_vc
        )
        emb_cp.wait()

        dx0 = emb_v[0, :]
        dx1 = emb_v[1, :]
        dx2 = emb_v[2, :]
        a1x = emb_v[3, :] + 1.0
        a1y = emb_v[4, :]
        a1z = emb_v[5, :]
        a2x = emb_v[6, :]
        a2y = emb_v[7, :] + 1.0
        a2z = emb_v[8, :]
        inv1 = _rsqrt16(a1x * a1x + a1y * a1y + a1z * a1z)
        b1x = a1x * inv1
        b1y = a1y * inv1
        b1z = a1z * inv1
        d = b1x * a2x + b1y * a2y + b1z * a2z
        c2x = a2x - d * b1x
        c2y = a2y - d * b1y
        c2z = a2z - d * b1z
        inv2 = _rsqrt16(c2x * c2x + c2y * c2y + c2z * c2z)
        b2x = c2x * inv2
        b2y = c2y * inv2
        b2z = c2z * inv2
        b3x = b1y * b2z - b1z * b2y
        b3y = b1z * b2x - b1x * b2z
        b3z = b1x * b2y - b1y * b2x
        comps = (b1x, b1y, b1z, dx0,
                 b2x, b2y, b2z, dx1,
                 b3x, b3y, b3z, dx2)
        for j, v in enumerate(comps):
            tloc_v[j, :] = v
        pltpu.sync_copy(tloc_v, tab_sh.at[:, pl.ds(sid * _L, _L)])
        plsc.subcore_barrier()
        pltpu.sync_copy(tab_sh, tab_v)

        vid_cp.wait()
        cam_cp.wait()
        jsplat = [jnp.full((_L,), j, jnp.int32) for j in range(12)]

        @plsc.parallel_loop(0, _GROUPS, 1)
        def _main_body(g):
            ti = g // 8
            sub = g % 8
            vids = vid_v[pl.ds(g * _L, _L)]
            gcomp = [
                plsc.load_gather(tab_v, [jsplat[j], vids]) for j in range(12)
            ]
            lane0 = ti * 512 + sub * _L

            def rbody(r, carry):
                a = [cam_v[r, pl.ds(lane0 + k * 128, _L)] for k in range(4)]
                for c in range(4):
                    acc = a[0] * gcomp[c]
                    acc = acc + a[1] * gcomp[4 + c]
                    acc = acc + a[2] * gcomp[8 + c]
                    if c == 3:
                        acc = acc + a[3]
                    out_v[r, pl.ds(lane0 + c * 128, _L)] = acc
                return carry

            lax.fori_loop(0, 4, rbody, 0)

        pltpu.sync_copy(out_v, out_hbm.at[:, pl.ds(wid * row_len, row_len)])

    return _sc_kernel


def kernel(camtoworlds, view_ids, embeds):
    cam_lin = jnp.transpose(
        camtoworlds.reshape(128, 128, 4, 4), (2, 0, 3, 1)
    ).reshape(4, N_CAMS * 4)
    out_lin = _make_sc_kernel()(
        embeds.T, view_ids.astype(jnp.int32), cam_lin
    )
    return jnp.transpose(
        out_lin.reshape(4, 128, 4, 128), (1, 3, 0, 2)
    ).reshape(N_CAMS, 4, 4)

# --- scband reference (transcript-rebuilt; emitter-appended) ---
"""Pipeline reference for scband-gsplat-camera-opt-module-3856880632369 (READ-ONLY COPY).

The authoritative reference and input builder live on the scoring server;
editing this copy changes nothing except your own understanding.
"""

import jax, jax.numpy as jnp
import numpy as np


def _rotation_6d_to_matrix(d6):
    a1 = d6[..., :3]
    a2 = d6[..., 3:]
    b1 = a1 / jnp.maximum(jnp.linalg.norm(a1, axis=-1, keepdims=True), 1e-12)
    b2 = a2 - jnp.sum(b1 * a2, axis=-1, keepdims=True) * b1
    b2 = b2 / jnp.maximum(jnp.linalg.norm(b2, axis=-1, keepdims=True), 1e-12)
    b3 = jnp.cross(b1, b2)
    return jnp.stack((b1, b2, b3), axis=-2)


def _forward(camtoworlds, embeds, view_ids):
    identity = jnp.array([1.0, 0.0, 0.0, 0.0, 1.0, 0.0], dtype=jnp.float32)
    # view_ids are 0..num_views-1 and the view_id_to_embed map is identity here,
    # so the embedding lookup is a direct row gather.
    pose_deltas = jnp.take(embeds, view_ids, axis=0)
    dx = pose_deltas[..., :3]
    drot = pose_deltas[..., 3:]
    rot = _rotation_6d_to_matrix(drot + identity)
    top = jnp.concatenate([rot, dx[..., None]], axis=-1)  # (..., 3, 4)
    bottom = jnp.broadcast_to(
        jnp.array([0.0, 0.0, 0.0, 1.0], dtype=jnp.float32),
        top.shape[:-2] + (1, 4),
    )
    transform = jnp.concatenate([top, bottom], axis=-2)  # (..., 4, 4)
    return jnp.matmul(camtoworlds, transform)


def setup_inputs(seed: int = 0) -> dict:
    key = jax.random.key(seed)
    k1, k2, k3 = jax.random.split(key, 3)
    camtoworlds = jax.random.normal(k1, (16384, 4, 4), dtype=jnp.float32)
    view_ids = jax.random.randint(k2, (16384,), 0, 256)
    # learned parameter: nn.Embedding(256, 9) weight
    embeds = jax.random.normal(k3, (256, 9), dtype=jnp.float32) * 0.01
    return {"camtoworlds": camtoworlds, "view_ids": view_ids, "embeds": embeds}


def reference(camtoworlds, view_ids, embeds):
    return _forward(camtoworlds, embeds, view_ids)

if __name__ == "__main__":
    import jax
    _d = setup_inputs()
    print(jax.jit(kernel)(*tuple(_d.values())))

</pallas_src>

<mosaic_0001>
#map = affine_map<(d0, d1) -> (0, 0)>
#map1 = affine_map<(d0, d1) -> (0)>
module attributes {stable_mosaic.version = 14 : i64} {
  func.func @_sc_kernel(%arg0: i32, %arg1: i32, %arg2: memref<9x256xf32, #tpu.memory_space<hbm>>, %arg3: memref<16384xi32, #tpu.memory_space<hbm>>, %arg4: memref<4x65536xf32, #tpu.memory_space<hbm>>, %arg5: memref<4x65536xf32, #tpu.memory_space<hbm>>, %arg6: memref<9x16xf32, #tpu.memory_space<vmem>>, %arg7: memref<12x256xf32, #tpu.memory_space<vmem>>, %arg8: memref<512xi32, #tpu.memory_space<vmem>>, %arg9: memref<4x2048xf32, #tpu.memory_space<vmem>>, %arg10: memref<4x2048xf32, #tpu.memory_space<vmem>>, %arg11: memref<12x16xf32, #tpu.memory_space<vmem>>, %arg12: memref<12x256xf32, #tpu.memory_space<vmem_shared>>, %arg13: memref<!tpu.dma_semaphore, #tpu.memory_space<semaphore_mem>>, %arg14: memref<!tpu.dma_semaphore, #tpu.memory_space<semaphore_mem>>) attributes {dimension_semantics = [#tpu.dimension_semantics<core_parallel>, #tpu.dimension_semantics<subcore_parallel>], iteration_bounds = array<i64: 2, 16>, scalar_prefetch = 0 : i64, scratch_operands = 9 : i64, tpu.core_type = #tpu.core_type<sc_vector_subcore>, window_params = [{transform_indices = #map}, {transform_indices = #map1}, {transform_indices = #map}, {transform_indices = #map}]} {
    %mul3A = arith.constant 2 : i32
    %mul3A_0 = arith.muli %arg1, %mul3A : i32
    %add3A = arith.addi %mul3A_0, %arg0 : i32
    %mul3A_1 = arith.constant 16 : i32
    %mul3A_2 = arith.muli %arg1, %mul3A_1 : i32
    %dma_start3A = arith.constant 0 : i32
    %dma_start3A_3 = tpu.memref_slice %arg2[%dma_start3A, %mul3A_2] : memref<9x256xf32, #tpu.memory_space<hbm>> -> memref<9x16xf32, #tpu.memory_space<hbm>>
    %dma_start3A_4 = arith.constant 0 : i32
    %dma_start3A_5 = tpu.memref_slice %arg2[%dma_start3A_4, %mul3A_2] : memref<9x256xf32, #tpu.memory_space<hbm>> -> memref<9x16xf32, #tpu.memory_space<hbm>>
    tpu.enqueue_dma source(%dma_start3A_5 : memref<9x16xf32, #tpu.memory_space<hbm>>) target(%arg6 : memref<9x16xf32, #tpu.memory_space<vmem>>) target_semaphore(%arg13 : memref<!tpu.dma_semaphore, #tpu.memory_space<semaphore_mem>>)
    %mul3A_6 = arith.constant 512 : i32
    %mul3A_7 = arith.muli %add3A, %mul3A_6 : i32
    %dma_start3A_8 = tpu.memref_slice %arg3[%mul3A_7] : memref<16384xi32, #tpu.memory_space<hbm>> -> memref<512xi32, #tpu.memory_space<hbm>>
    %dma_start3A_9 = tpu.memref_slice %arg3[%mul3A_7] : memref<16384xi32, #tpu.memory_space<hbm>> -> memref<512xi32, #tpu.memory_space<hbm>>
    tpu.enqueue_dma source(%dma_start3A_9 : memref<512xi32, #tpu.memory_space<hbm>>) target(%arg8 : memref<512xi32, #tpu.memory_space<vmem>>) target_semaphore(%arg14 : memref<!tpu.dma_semaphore, #tpu.memory_space<semaphore_mem>>)
    %mul3A_10 = arith.constant 2048 : i32
    %mul3A_11 = arith.muli %add3A, %mul3A_10 : i32
    %dma_start3A_12 = arith.constant 0 : i32
    %dma_start3A_13 = tpu.memref_slice %arg4[%dma_start3A_12, %mul3A_11] : memref<4x65536xf32, #tpu.memory_space<hbm>> -> memref<4x2048xf32, #tpu.memory_space<hbm>>
    %dma_start3A_14 = arith.constant 0 : i32
    %dma_start3A_15 = tpu.memref_slice %arg4[%dma_start3A_14, %mul3A_11] : memref<4x65536xf32, #tpu.memory_space<hbm>> -> memref<4x2048xf32, #tpu.memory_space<hbm>>
    tpu.enqueue_dma source(%dma_start3A_15 : memref<4x2048xf32, #tpu.memory_space<hbm>>) target(%arg9 : memref<4x2048xf32, #tpu.memory_space<vmem>>) target_semaphore(%arg14 : memref<!tpu.dma_semaphore, #tpu.memory_space<semaphore_mem>>)
    %dma_wait3A = arith.constant 0 : i32
    %dma_wait3A_16 = tpu.memref_slice %arg2[%dma_wait3A, %mul3A_2] : memref<9x256xf32, #tpu.memory_space<hbm>> -> memref<9x16xf32, #tpu.memory_space<hbm>>
    %dma_wait3A_17 = arith.constant 0 : i32
    %dma_wait3A_18 = tpu.memref_slice %arg2[%dma_wait3A_17, %mul3A_2] : memref<9x256xf32, #tpu.memory_space<hbm>> -> memref<9x16xf32, #tpu.memory_space<hbm>>
    tpu.wait_dma2 semaphore(%arg13 : memref<!tpu.dma_semaphore, #tpu.memory_space<semaphore_mem>>) src(%dma_wait3A_18 : memref<9x16xf32, #tpu.memory_space<hbm>>) dst(%arg6 : memref<9x16xf32, #tpu.memory_space<vmem>>)
    %get3A = arith.constant 0 : i32
    %get3A_19 = arith.index_cast %get3A : i32 to index
    %get3A_20 = arith.constant 0 : index
    %get3A_21 = tpu.vector_load %arg6[%get3A_19, %get3A_20] {strides = array<i32>} : memref<9x16xf32, #tpu.memory_space<vmem>>, vector<16xf32>,
    %get3A_22 = arith.constant 1 : i32
    %get3A_23 = arith.index_cast %get3A_22 : i32 to index
    %get3A_24 = arith.constant 0 : index
    %get3A_25 = tpu.vector_load %arg6[%get3A_23, %get3A_24] {strides = array<i32>} : memref<9x16xf32, #tpu.memory_space<vmem>>, vector<16xf32>,
    %get3A_26 = arith.constant 2 : i32
    %get3A_27 = arith.index_cast %get3A_26 : i32 to index
    %get3A_28 = arith.constant 0 : index
    %get3A_29 = tpu.vector_load %arg6[%get3A_27, %get3A_28] {strides = array<i32>} : memref<9x16xf32, #tpu.memory_space<vmem>>, vector<16xf32>,
    %get3A_30 = arith.constant 3 : i32
    %get3A_31 = arith.index_cast %get3A_30 : i32 to index
    %get3A_32 = arith.constant 0 : index
    %get3A_33 = tpu.vector_load %arg6[%get3A_31, %get3A_32] {strides = array<i32>} : memref<9x16xf32, #tpu.memory_space<vmem>>, vector<16xf32>,
    %add3A_34 = arith.constant 1.000000e+00 : f32
    %add3A_35 = vector.broadcast %add3A_34 : f32 to vector<16xf32>
    %add3A_36 = arith.addf %get3A_33, %add3A_35 : vector<16xf32>
    %get3A_37 = arith.constant 4 : i32
    %get3A_38 = arith.index_cast %get3A_37 : i32 to index
    %get3A_39 = arith.constant 0 : index
    %get3A_40 = tpu.vector_load %arg6[%get3A_38, %get3A_39] {strides = array<i32>} : memref<9x16xf32, #tpu.memory_space<vmem>>, vector<16xf32>,
    %get3A_41 = arith.constant 5 : i32
    %get3A_42 = arith.index_cast %get3A_41 : i32 to index
    %get3A_43 = arith.constant 0 : index
    %get3A_44 = tpu.vector_load %arg6[%get3A_42, %get3A_43] {strides = array<i32>} : memref<9x16xf32, #tpu.memory_space<vmem>>, vector<16xf32>,
    %get3A_45 = arith.constant 6 : i32
    %get3A_46 = arith.index_cast %get3A_45 : i32 to index
    %get3A_47 = arith.constant 0 : index
    %get3A_48 = tpu.vector_load %arg6[%get3A_46, %get3A_47] {strides = array<i32>} : memref<9x16xf32, #tpu.memory_space<vmem>>, vector<16xf32>,
    %get3A_49 = arith.constant 7 : i32
    %get3A_50 = arith.index_cast %get3A_49 : i32 to index
    %get3A_51 = arith.constant 0 : index
    %get3A_52 = tpu.vector_load %arg6[%get3A_50, %get3A_51] {strides = array<i32>} : memref<9x16xf32, #tpu.memory_space<vmem>>, vector<16xf32>,
    %add3A_53 = arith.constant 1.000000e+00 : f32
    %add3A_54 = vector.broadcast %add3A_53 : f32 to vector<16xf32>
    %add3A_55 = arith.addf %get3A_52, %add3A_54 : vector<16xf32>
    %get3A_56 = arith.constant 8 : i32
    %get3A_57 = arith.index_cast %get3A_56 : i32 to index
    %get3A_58 = arith.constant 0 : index
    %get3A_59 = tpu.vector_load %arg6[%get3A_57, %get3A_58] {strides = array<i32>} : memref<9x16xf32, #tpu.memory_space<vmem>>, vector<16xf32>,
    %mul3A_60 = arith.mulf %add3A_36, %add3A_36 : vector<16xf32>
    %mul3A_61 = arith.mulf %get3A_40, %get3A_40 : vector<16xf32>
    %add3A_62 = arith.addf %mul3A_60, %mul3A_61 : vector<16xf32>
    %mul3A_63 = arith.mulf %get3A_44, %get3A_44 : vector<16xf32>
    %add3A_64 = arith.addf %add3A_62, %mul3A_63 : vector<16xf32>
    %bitcast_convert_type3A = tpu.bitcast %add3A_64 : vector<16xf32> -> vector<16xi32>
    %shift_right_arithmetic3A = arith.constant 1 : i32
    %shift_right_arithmetic3A_65 = vector.broadcast %shift_right_arithmetic3A : i32 to vector<16xi32>
    %shift_right_arithmetic3A_66 = arith.shrsi %bitcast_convert_type3A, %shift_right_arithmetic3A_65 : vector<16xi32>
    %sub3A = arith.constant 1597463007 : i32
    %sub3A_67 = vector.broadcast %sub3A : i32 to vector<16xi32>
    %sub3A_68 = arith.subi %sub3A_67, %shift_right_arithmetic3A_66 : vector<16xi32>
    %bitcast_convert_type3A_69 = tpu.bitcast %sub3A_68 : vector<16xi32> -> vector<16xf32>
    %mul3A_70 = arith.constant 5.000000e-01 : f32
    %mul3A_71 = vector.broadcast %mul3A_70 : f32 to vector<16xf32>
    %mul3A_72 = arith.mulf %mul3A_71, %add3A_64 : vector<16xf32>
    %mul3A_73 = arith.mulf %mul3A_72, %bitcast_convert_type3A_69 : vector<16xf32>
    %mul3A_74 = arith.mulf %mul3A_73, %bitcast_convert_type3A_69 : vector<16xf32>
    %sub3A_75 = arith.constant 1.500000e+00 : f32
    %sub3A_76 = vector.broadcast %sub3A_75 : f32 to vector<16xf32>
    %sub3A_77 = arith.subf %sub3A_76, %mul3A_74 : vector<16xf32>
    %mul3A_78 = arith.mulf %bitcast_convert_type3A_69, %sub3A_77 : vector<16xf32>
    %mul3A_79 = arith.mulf %mul3A_72, %mul3A_78 : vector<16xf32>
    %mul3A_80 = arith.mulf %mul3A_79, %mul3A_78 : vector<16xf32>
    %sub3A_81 = arith.constant 1.500000e+00 : f32
    %sub3A_82 = vector.broadcast %sub3A_81 : f32 to vector<16xf32>
    %sub3A_83 = arith.subf %sub3A_82, %mul3A_80 : vector<16xf32>
    %mul3A_84 = arith.mulf %mul3A_78, %sub3A_83 : vector<16xf32>
    %mul3A_85 = arith.mulf %mul3A_72, %mul3A_84 : vector<16xf32>
    %mul3A_86 = arith.mulf %mul3A_85, %mul3A_84 : vector<16xf32>
    %sub3A_87 = arith.constant 1.500000e+00 : f32
    %sub3A_88 = vector.broadcast %sub3A_87 : f32 to vector<16xf32>
    %sub3A_89 = arith.subf %sub3A_88, %mul3A_86 : vector<16xf32>
    %mul3A_90 = arith.mulf %mul3A_84, %sub3A_89 : vector<16xf32>
    %min3A = arith.constant 9.99999995E+11 : f32
    %min3A_91 = vector.broadcast %min3A : f32 to vector<16xf32>
    %min3A_92 = arith.minimumf %mul3A_90, %min3A_91 : vector<16xf32>
    %mul3A_93 = arith.mulf %add3A_36, %min3A_92 : vector<16xf32>
    %mul3A_94 = arith.mulf %get3A_40, %min3A_92 : vector<16xf32>
    %mul3A_95 = arith.mulf %get3A_44, %min3A_92 : vector<16xf32>
    %mul3A_96 = arith.mulf %mul3A_93, %get3A_48 : vector<16xf32>
    %mul3A_97 = arith.mulf %mul3A_94, %add3A_55 : vector<16xf32>
    %add3A_98 = arith.addf %mul3A_96, %mul3A_97 : vector<16xf32>
    %mul3A_99 = arith.mulf %mul3A_95, %get3A_59 : vector<16xf32>
    %add3A_100 = arith.addf %add3A_98, %mul3A_99 : vector<16xf32>
    %mul3A_101 = arith.mulf %add3A_100, %mul3A_93 : vector<16xf32>
    %sub3A_102 = arith.subf %get3A_48, %mul3A_101 : vector<16xf32>
    %mul3A_103 = arith.mulf %add3A_100, %mul3A_94 : vector<16xf32>
    %sub3A_104 = arith.subf %add3A_55, %mul3A_103 : vector<16xf32>
    %mul3A_105 = arith.mulf %add3A_100, %mul3A_95 : vector<16xf32>
    %sub3A_106 = arith.subf %get3A_59, %mul3A_105 : vector<16xf32>
    %mul3A_107 = arith.mulf %sub3A_102, %sub3A_102 : vector<16xf32>
    %mul3A_108 = arith.mulf %sub3A_104, %sub3A_104 : vector<16xf32>
    %add3A_109 = arith.addf %mul3A_107, %mul3A_108 : vector<16xf32>
    %mul3A_110 = arith.mulf %sub3A_106, %sub3A_106 : vector<16xf32>
    %add3A_111 = arith.addf %add3A_109, %mul3A_110 : vector<16xf32>
    %bitcast_convert_type3A_112 = tpu.bitcast %add3A_111 : vector<16xf32> -> vector<16xi32>
    %shift_right_arithmetic3A_113 = arith.constant 1 : i32
    %shift_right_arithmetic3A_114 = vector.broadcast %shift_right_arithmetic3A_113 : i32 to vector<16xi32>
    %shift_right_arithmetic3A_115 = arith.shrsi %bitcast_convert_type3A_112, %shift_right_arithmetic3A_114 : vector<16xi32>
    %sub3A_116 = arith.constant 1597463007 : i32
    %sub3A_117 = vector.broadcast %sub3A_116 : i32 to vector<16xi32>
    %sub3A_118 = arith.subi %sub3A_117, %shift_right_arithmetic3A_115 : vector<16xi32>
    %bitcast_convert_type3A_119 = tpu.bitcast %sub3A_118 : vector<16xi32> -> vector<16xf32>
    %mul3A_120 = arith.constant 5.000000e-01 : f32
    %mul3A_121 = vector.broadcast %mul3A_120 : f32 to vector<16xf32>
    %mul3A_122 = arith.mulf %mul3A_121, %add3A_111 : vector<16xf32>
    %mul3A_123 = arith.mulf %mul3A_122, %bitcast_convert_type3A_119 : vector<16xf32>
    %mul3A_124 = arith.mulf %mul3A_123, %bitcast_convert_type3A_119 : vector<16xf32>
    %sub3A_125 = arith.constant 1.500000e+00 : f32
    %sub3A_126 = vector.broadcast %sub3A_125 : f32 to vector<16xf32>
    %sub3A_127 = arith.subf %sub3A_126, %mul3A_124 : vector<16xf32>
    %mul3A_128 = arith.mulf %bitcast_convert_type3A_119, %sub3A_127 : vector<16xf32>
    %mul3A_129 = arith.mulf %mul3A_122, %mul3A_128 : vector<16xf32>
    %mul3A_130 = arith.mulf %mul3A_129, %mul3A_128 : vector<16xf32>
    %sub3A_131 = arith.constant 1.500000e+00 : f32
    %sub3A_132 = vector.broadcast %sub3A_131 : f32 to vector<16xf32>
    %sub3A_133 = arith.subf %sub3A_132, %mul3A_130 : vector<16xf32>
    %mul3A_134 = arith.mulf %mul3A_128, %sub3A_133 : vector<16xf32>
    %mul3A_135 = arith.mulf %mul3A_122, %mul3A_134 : vector<16xf32>
    %mul3A_136 = arith.mulf %mul3A_135, %mul3A_134 : vector<16xf32>
    %sub3A_137 = arith.constant 1.500000e+00 : f32
    %sub3A_138 = vector.broadcast %sub3A_137 : f32 to vector<16xf32>
    %sub3A_139 = arith.subf %sub3A_138, %mul3A_136 : vector<16xf32>
    %mul3A_140 = arith.mulf %mul3A_134, %sub3A_139 : vector<16xf32>
    %min3A_141 = arith.constant 9.99999995E+11 : f32
    %min3A_142 = vector.broadcast %min3A_141 : f32 to vector<16xf32>
    %min3A_143 = arith.minimumf %mul3A_140, %min3A_142 : vector<16xf32>
    %mul3A_144 = arith.mulf %sub3A_102, %min3A_143 : vector<16xf32>
    %mul3A_145 = arith.mulf %sub3A_104, %min3A_143 : vector<16xf32>
    %mul3A_146 = arith.mulf %sub3A_106, %min3A_143 : vector<16xf32>
    %mul3A_147 = arith.mulf %mul3A_94, %mul3A_146 : vector<16xf32>
    %mul3A_148 = arith.mulf %mul3A_95, %mul3A_145 : vector<16xf32>
    %sub3A_149 = arith.subf %mul3A_147, %mul3A_148 : vector<16xf32>
    %mul3A_150 = arith.mulf %mul3A_95, %mul3A_144 : vector<16xf32>
    %mul3A_151 = arith.mulf %mul3A_93, %mul3A_146 : vector<16xf32>
    %sub3A_152 = arith.subf %mul3A_150, %mul3A_151 : vector<16xf32>
    %mul3A_153 = arith.mulf %mul3A_93, %mul3A_145 : vector<16xf32>
    %mul3A_154 = arith.mulf %mul3A_94, %mul3A_144 : vector<16xf32>
    %sub3A_155 = arith.subf %mul3A_153, %mul3A_154 : vector<16xf32>
    %swap3A = arith.constant 0 : i32
    %swap3A_156 = arith.index_cast %swap3A : i32 to index
    %swap3A_157 = arith.constant 0 : index
    %swap3A_158 = tpu.vector_load %arg11[%swap3A_156, %swap3A_157] {strides = array<i32>} : memref<12x16xf32, #tpu.memory_space<vmem>>, vector<16xf32>,
    tpu.vector_store %arg11[%swap3A_156, %swap3A_157], %mul3A_93 {strides = array<i32>} : memref<12x16xf32, #tpu.memory_space<vmem>>, vector<16xf32>,
    %swap3A_159 = arith.constant 1 : i32
    %swap3A_160 = arith.index_cast %swap3A_159 : i32 to index
    %swap3A_161 = arith.constant 0 : index
    %swap3A_162 = tpu.vector_load %arg11[%swap3A_160, %swap3A_161] {strides = array<i32>} : memref<12x16xf32, #tpu.memory_space<vmem>>, vector<16xf32>,
    tpu.vector_store %arg11[%swap3A_160, %swap3A_161], %mul3A_94 {strides = array<i32>} : memref<12x16xf32, #tpu.memory_space<vmem>>, vector<16xf32>,
    %swap3A_163 = arith.constant 2 : i32
    %swap3A_164 = arith.index_cast %swap3A_163 : i32 to index
    %swap3A_165 = arith.constant 0 : index
    %swap3A_166 = tpu.vector_load %arg11[%swap3A_164, %swap3A_165] {strides = array<i32>} : memref<12x16xf32, #tpu.memory_space<vmem>>, vector<16xf32>,
    tpu.vector_store %arg11[%swap3A_164, %swap3A_165], %mul3A_95 {strides = array<i32>} : memref<12x16xf32, #tpu.memory_space<vmem>>, vector<16xf32>,
    %swap3A_167 = arith.constant 3 : i32
    %swap3A_168 = arith.index_cast %swap3A_167 : i32 to index
    %swap3A_169 = arith.constant 0 : index
    %swap3A_170 = tpu.vector_load %arg11[%swap3A_168, %swap3A_169] {strides = array<i32>} : memref<12x16xf32, #tpu.memory_space<vmem>>, vector<16xf32>,
    tpu.vector_store %arg11[%swap3A_168, %swap3A_169], %get3A_21 {strides = array<i32>} : memref<12x16xf32, #tpu.memory_space<vmem>>, vector<16xf32>,
    %swap3A_171 = arith.constant 4 : i32
    %swap3A_172 = arith.index_cast %swap3A_171 : i32 to index
    %swap3A_173 = arith.constant 0 : index
    %swap3A_174 = tpu.vector_load %arg11[%swap3A_172, %swap3A_173] {strides = array<i32>} : memref<12x16xf32, #tpu.memory_space<vmem>>, vector<16xf32>,
    tpu.vector_store %arg11[%swap3A_172, %swap3A_173], %mul3A_144 {strides = array<i32>} : memref<12x16xf32, #tpu.memory_space<vmem>>, vector<16xf32>,
    %swap3A_175 = arith.constant 5 : i32
    %swap3A_176 = arith.index_cast %swap3A_175 : i32 to index
    %swap3A_177 = arith.constant 0 : index
    %swap3A_178 = tpu.vector_load %arg11[%swap3A_176, %swap3A_177] {strides = array<i32>} : memref<12x16xf32, #tpu.memory_space<vmem>>, vector<16xf32>,
    tpu.vector_store %arg11[%swap3A_176, %swap3A_177], %mul3A_145 {strides = array<i32>} : memref<12x16xf32, #tpu.memory_space<vmem>>, vector<16xf32>,
    %swap3A_179 = arith.constant 6 : i32
    %swap3A_180 = arith.index_cast %swap3A_179 : i32 to index
    %swap3A_181 = arith.constant 0 : index
    %swap3A_182 = tpu.vector_load %arg11[%swap3A_180, %swap3A_181] {strides = array<i32>} : memref<12x16xf32, #tpu.memory_space<vmem>>, vector<16xf32>,
    tpu.vector_store %arg11[%swap3A_180, %swap3A_181], %mul3A_146 {strides = array<i32>} : memref<12x16xf32, #tpu.memory_space<vmem>>, vector<16xf32>,
    %swap3A_183 = arith.constant 7 : i32
    %swap3A_184 = arith.index_cast %swap3A_183 : i32 to index
    %swap3A_185 = arith.constant 0 : index
    %swap3A_186 = tpu.vector_load %arg11[%swap3A_184, %swap3A_185] {strides = array<i32>} : memref<12x16xf32, #tpu.memory_space<vmem>>, vector<16xf32>,
    tpu.vector_store %arg11[%swap3A_184, %swap3A_185], %get3A_25 {strides = array<i32>} : memref<12x16xf32, #tpu.memory_space<vmem>>, vector<16xf32>,
    %swap3A_187 = arith.constant 8 : i32
    %swap3A_188 = arith.index_cast %swap3A_187 : i32 to index
    %swap3A_189 = arith.constant 0 : index
    %swap3A_190 = tpu.vector_load %arg11[%swap3A_188, %swap3A_189] {strides = array<i32>} : memref<12x16xf32, #tpu.memory_space<vmem>>, vector<16xf32>,
    tpu.vector_store %arg11[%swap3A_188, %swap3A_189], %sub3A_149 {strides = array<i32>} : memref<12x16xf32, #tpu.memory_space<vmem>>, vector<16xf32>,
    %swap3A_191 = arith.constant 9 : i32
    %swap3A_192 = arith.index_cast %swap3A_191 : i32 to index
    %swap3A_193 = arith.constant 0 : index
    %swap3A_194 = tpu.vector_load %arg11[%swap3A_192, %swap3A_193] {strides = array<i32>} : memref<12x16xf32, #tpu.memory_space<vmem>>, vector<16xf32>,
    tpu.vector_store %arg11[%swap3A_192, %swap3A_193], %sub3A_152 {strides = array<i32>} : memref<12x16xf32, #tpu.memory_space<vmem>>, vector<16xf32>,
    %swap3A_195 = arith.constant 10 : i32
    %swap3A_196 = arith.index_cast %swap3A_195 : i32 to index
    %swap3A_197 = arith.constant 0 : index
    %swap3A_198 = tpu.vector_load %arg11[%swap3A_196, %swap3A_197] {strides = array<i32>} : memref<12x16xf32, #tpu.memory_space<vmem>>, vector<16xf32>,
    tpu.vector_store %arg11[%swap3A_196, %swap3A_197], %sub3A_155 {strides = array<i32>} : memref<12x16xf32, #tpu.memory_space<vmem>>, vector<16xf32>,
    %swap3A_199 = arith.constant 11 : i32
    %swap3A_200 = arith.index_cast %swap3A_199 : i32 to index
    %swap3A_201 = arith.constant 0 : index
    %swap3A_202 = tpu.vector_load %arg11[%swap3A_200, %swap3A_201] {strides = array<i32>} : memref<12x16xf32, #tpu.memory_space<vmem>>, vector<16xf32>,
    tpu.vector_store %arg11[%swap3A_200, %swap3A_201], %get3A_29 {strides = array<i32>} : memref<12x16xf32, #tpu.memory_space<vmem>>, vector<16xf32>,
    %mul3A_203 = arith.constant 16 : i32
    %mul3A_204 = arith.muli %arg1, %mul3A_203 : i32
    "tpu.region"() ({
      %run_scoped3A = tpu.sem_alloc : memref<!tpu.dma_semaphore, #tpu.memory_space<semaphore_mem>>
      %dma_start3A_238 = arith.constant 0 : i32
      %dma_start3A_239 = tpu.memref_slice %arg12[%dma_start3A_238, %mul3A_204] : memref<12x256xf32, #tpu.memory_space<vmem_shared>> -> memref<12x16xf32, #tpu.memory_space<vmem_shared>>
      %dma_start3A_240 = arith.constant 0 : i32
      %dma_start3A_241 = tpu.memref_slice %arg12[%dma_start3A_240, %mul3A_204] : memref<12x256xf32, #tpu.memory_space<vmem_shared>> -> memref<12x16xf32, #tpu.memory_space<vmem_shared>>
      tpu.enqueue_dma source(%arg11 : memref<12x16xf32, #tpu.memory_space<vmem>>) target(%dma_start3A_241 : memref<12x16xf32, #tpu.memory_space<vmem_shared>>) target_semaphore(%run_scoped3A : memref<!tpu.dma_semaphore, #tpu.memory_space<semaphore_mem>>)
      %dma_wait3A_242 = arith.constant 0 : i32
      %dma_wait3A_243 = tpu.memref_slice %arg12[%dma_wait3A_242, %mul3A_204] : memref<12x256xf32, #tpu.memory_space<vmem_shared>> -> memref<12x16xf32, #tpu.memory_space<vmem_shared>>
      %dma_wait3A_244 = arith.constant 0 : i32
      %dma_wait3A_245 = tpu.memref_slice %arg12[%dma_wait3A_244, %mul3A_204] : memref<12x256xf32, #tpu.memory_space<vmem_shared>> -> memref<12x16xf32, #tpu.memory_space<vmem_shared>>
      tpu.wait_dma2 semaphore(%run_scoped3A : memref<!tpu.dma_semaphore, #tpu.memory_space<semaphore_mem>>) src(%arg11 : memref<12x16xf32, #tpu.memory_space<vmem>>) dst(%dma_wait3A_245 : memref<12x16xf32, #tpu.memory_space<vmem_shared>>)
      tpu.yield
    }) : () -> ()
    %barrier3A = arith.constant 0 : index
    tpu.barrier barrier_id(%barrier3A)
    "tpu.region"() ({
      %run_scoped3A = tpu.sem_alloc : memref<!tpu.dma_semaphore, #tpu.memory_space<semaphore_mem>>
      tpu.enqueue_dma source(%arg12 : memref<12x256xf32, #tpu.memory_space<vmem_shared>>) target(%arg7 : memref<12x256xf32, #tpu.memory_space<vmem>>) target_semaphore(%run_scoped3A : memref<!tpu.dma_semaphore, #tpu.memory_space<semaphore_mem>>)
      tpu.wait_dma2 semaphore(%run_scoped3A : memref<!tpu.dma_semaphore, #tpu.memory_space<semaphore_mem>>) src(%arg12 : memref<12x256xf32, #tpu.memory_space<vmem_shared>>) dst(%arg7 : memref<12x256xf32, #tpu.memory_space<vmem>>)
      tpu.yield
    }) : () -> ()
    %dma_wait3A_205 = tpu.memref_slice %arg3[%mul3A_7] : memref<16384xi32, #tpu.memory_space<hbm>> -> memref<512xi32, #tpu.memory_space<hbm>>
    %dma_wait3A_206 = tpu.memref_slice %arg3[%mul3A_7] : memref<16384xi32, #tpu.memory_space<hbm>> -> memref<512xi32, #tpu.memory_space<hbm>>
    tpu.wait_dma2 semaphore(%arg14 : memref<!tpu.dma_semaphore, #tpu.memory_space<semaphore_mem>>) src(%dma_wait3A_206 : memref<512xi32, #tpu.memory_space<hbm>>) dst(%arg8 : memref<512xi32, #tpu.memory_space<vmem>>)
    %dma_wait3A_207 = arith.constant 0 : i32
    %dma_wait3A_208 = tpu.memref_slice %arg4[%dma_wait3A_207, %mul3A_11] : memref<4x65536xf32, #tpu.memory_space<hbm>> -> memref<4x2048xf32, #tpu.memory_space<hbm>>
    %dma_wait3A_209 = arith.constant 0 : i32
    %dma_wait3A_210 = tpu.memref_slice %arg4[%dma_wait3A_209, %mul3A_11] : memref<4x65536xf32, #tpu.memory_space<hbm>> -> memref<4x2048xf32, #tpu.memory_space<hbm>>
    tpu.wait_dma2 semaphore(%arg14 : memref<!tpu.dma_semaphore, #tpu.memory_space<semaphore_mem>>) src(%dma_wait3A_210 : memref<4x2048xf32, #tpu.memory_space<hbm>>) dst(%arg9 : memref<4x2048xf32, #tpu.memory_space<vmem>>)
    %broadcast_in_dim3A = arith.constant 0 : i32
    %broadcast_in_dim3A_211 = vector.broadcast %broadcast_in_dim3A : i32 to vector<16xi32>
    %broadcast_in_dim3A_212 = arith.constant 1 : i32
    %broadcast_in_dim3A_213 = vector.broadcast %broadcast_in_dim3A_212 : i32 to vector<16xi32>
    %broadcast_in_dim3A_214 = arith.constant 2 : i32
    %broadcast_in_dim3A_215 = vector.broadcast %broadcast_in_dim3A_214 : i32 to vector<16xi32>
    %broadcast_in_dim3A_216 = arith.constant 3 : i32
    %broadcast_in_dim3A_217 = vector.broadcast %broadcast_in_dim3A_216 : i32 to vector<16xi32>
    %broadcast_in_dim3A_218 = arith.constant 4 : i32
    %broadcast_in_dim3A_219 = vector.broadcast %broadcast_in_dim3A_218 : i32 to vector<16xi32>
    %broadcast_in_dim3A_220 = arith.constant 5 : i32
    %broadcast_in_dim3A_221 = vector.broadcast %broadcast_in_dim3A_220 : i32 to vector<16xi32>
    %broadcast_in_dim3A_222 = arith.constant 6 : i32
    %broadcast_in_dim3A_223 = vector.broadcast %broadcast_in_dim3A_222 : i32 to vector<16xi32>
    %broadcast_in_dim3A_224 = arith.constant 7 : i32
    %broadcast_in_dim3A_225 = vector.broadcast %broadcast_in_dim3A_224 : i32 to vector<16xi32>
    %broadcast_in_dim3A_226 = arith.constant 8 : i32
    %broadcast_in_dim3A_227 = vector.broadcast %broadcast_in_dim3A_226 : i32 to vector<16xi32>
    %broadcast_in_dim3A_228 = arith.constant 9 : i32
    %broadcast_in_dim3A_229 = vector.broadcast %broadcast_in_dim3A_228 : i32 to vector<16xi32>
    %broadcast_in_dim3A_230 = arith.constant 10 : i32
    %broadcast_in_dim3A_231 = vector.broadcast %broadcast_in_dim3A_230 : i32 to vector<16xi32>
    %broadcast_in_dim3A_232 = arith.constant 11 : i32
    %broadcast_in_dim3A_233 = vector.broadcast %broadcast_in_dim3A_232 : i32 to vector<16xi32>
    %parallel_loop3A = arith.constant 0 : i32
    %parallel_loop3A_234 = arith.constant 32 : i32
    %parallel_loop3A_235 = arith.constant 1 : i32
    scf.for %parallel_loop3A_238 = %parallel_loop3A to %parallel_loop3A_234 step %parallel_loop3A_235  : i32 {
      %parallel_loop3A_239 = arith.constant 8 : i32
      %parallel_loop3A_240 = arith.divsi %parallel_loop3A_238, %parallel_loop3A_239 : i32
      %parallel_loop3A_241 = arith.constant 0 : i32
      %parallel_loop3A_242 = arith.cmpi sgt, %parallel_loop3A_238, %parallel_loop3A_241 : i32
      %parallel_loop3A_243 = arith.extui %parallel_loop3A_242 : i1 to i32
      %parallel_loop3A_244 = arith.constant 0 : i32
      %parallel_loop3A_245 = arith.cmpi slt, %parallel_loop3A_238, %parallel_loop3A_244 : i32
      %parallel_loop3A_246 = arith.extui %parallel_loop3A_245 : i1 to i32
      %parallel_loop3A_247 = arith.subi %parallel_loop3A_243, %parallel_loop3A_246 : i32
      %parallel_loop3A_248 = arith.constant 0 : i32
      %parallel_loop3A_249 = arith.cmpi sgt, %parallel_loop3A_239, %parallel_loop3A_248 : i32
      %parallel_loop3A_250 = arith.extui %parallel_loop3A_249 : i1 to i32
      %parallel_loop3A_251 = arith.constant 0 : i32
      %parallel_loop3A_252 = arith.cmpi slt, %parallel_loop3A_239, %parallel_loop3A_251 : i32
      %parallel_loop3A_253 = arith.extui %parallel_loop3A_252 : i1 to i32
      %parallel_loop3A_254 = arith.subi %parallel_loop3A_250, %parallel_loop3A_253 : i32
      %parallel_loop3A_255 = arith.cmpi ne, %parallel_loop3A_247, %parallel_loop3A_254 : i32
      %parallel_loop3A_256 = arith.remsi %parallel_loop3A_238, %parallel_loop3A_239 : i32
      %parallel_loop3A_257 = arith.constant 0 : i32
      %parallel_loop3A_258 = arith.cmpi ne, %parallel_loop3A_256, %parallel_loop3A_257 : i32
      %parallel_loop3A_259 = arith.andi %parallel_loop3A_255, %parallel_loop3A_258 : i1
      %parallel_loop3A_260 = arith.constant 1 : i32
      %parallel_loop3A_261 = arith.subi %parallel_loop3A_240, %parallel_loop3A_260 : i32
      %parallel_loop3A_262 = arith.select %parallel_loop3A_259, %parallel_loop3A_261, %parallel_loop3A_240 : i32
      %parallel_loop3A_263 = arith.constant 8 : i32
      %parallel_loop3A_264 = arith.constant 0 : i32
      %parallel_loop3A_265 = arith.cmpi eq, %parallel_loop3A_263, %parallel_loop3A_264 : i32
      %parallel_loop3A_266 = arith.constant 1 : i32
      %parallel_loop3A_267 = arith.select %parallel_loop3A_265, %parallel_loop3A_266, %parallel_loop3A_263 : i32
      %parallel_loop3A_268 = arith.remsi %parallel_loop3A_238, %parallel_loop3A_267 : i32
      %parallel_loop3A_269 = arith.constant 0 : i32
      %parallel_loop3A_270 = arith.cmpi ne, %parallel_loop3A_268, %parallel_loop3A_269 : i32
      %parallel_loop3A_271 = arith.constant 0 : i32
      %parallel_loop3A_272 = arith.cmpi slt, %parallel_loop3A_268, %parallel_loop3A_271 : i32
      %parallel_loop3A_273 = arith.constant 0 : i32
      %parallel_loop3A_274 = arith.cmpi slt, %parallel_loop3A_267, %parallel_loop3A_273 : i32
      %parallel_loop3A_275 = arith.xori %parallel_loop3A_272, %parallel_loop3A_274 : i1
      %parallel_loop3A_276 = arith.andi %parallel_loop3A_275, %parallel_loop3A_270 : i1
      %parallel_loop3A_277 = arith.addi %parallel_loop3A_268, %parallel_loop3A_267 : i32
      %parallel_loop3A_278 = arith.select %parallel_loop3A_276, %parallel_loop3A_277, %parallel_loop3A_268 : i32
      %parallel_loop3A_279 = arith.constant 16 : i32
      %parallel_loop3A_280 = arith.muli %parallel_loop3A_238, %parallel_loop3A_279 : i32
      %parallel_loop3A_281 = arith.index_cast %parallel_loop3A_280 : i32 to index
      %parallel_loop3A_282 = tpu.vector_load %arg8[%parallel_loop3A_281] {strides = array<i32>} : memref<512xi32, #tpu.memory_space<vmem>>, vector<16xi32>,
      %parallel_loop3A_283 = tpu.vector_load_idx %arg7[%broadcast_in_dim3A_211, %parallel_loop3A_282] : memref<12x256xf32, #tpu.memory_space<vmem>>[vector<16xi32>, vector<16xi32>], vector<16xf32>,
      %parallel_loop3A_284 = tpu.vector_load_idx %arg7[%broadcast_in_dim3A_213, %parallel_loop3A_282] : memref<12x256xf32, #tpu.memory_space<vmem>>[vector<16xi32>, vector<16xi32>], vector<16xf32>,
      %parallel_loop3A_285 = tpu.vector_load_idx %arg7[%broadcast_in_dim3A_215, %parallel_loop3A_282] : memref<12x256xf32, #tpu.memory_space<vmem>>[vector<16xi32>, vector<16xi32>], vector<16xf32>,
      %parallel_loop3A_286 = tpu.vector_load_idx %arg7[%broadcast_in_dim3A_217, %parallel_loop3A_282] : memref<12x256xf32, #tpu.memory_space<vmem>>[vector<16xi32>, vector<16xi32>], vector<16xf32>,
      %parallel_loop3A_287 = tpu.vector_load_idx %arg7[%broadcast_in_dim3A_219, %parallel_loop3A_282] : memref<12x256xf32, #tpu.memory_space<vmem>>[vector<16xi32>, vector<16xi32>], vector<16xf32>,
      %parallel_loop3A_288 = tpu.vector_load_idx %arg7[%broadcast_in_dim3A_221, %parallel_loop3A_282] : memref<12x256xf32, #tpu.memory_space<vmem>>[vector<16xi32>, vector<16xi32>], vector<16xf32>,
      %parallel_loop3A_289 = tpu.vector_load_idx %arg7[%broadcast_in_dim3A_223, %parallel_loop3A_282] : memref<12x256xf32, #tpu.memory_space<vmem>>[vector<16xi32>, vector<16xi32>], vector<16xf32>,
      %parallel_loop3A_290 = tpu.vector_load_idx %arg7[%broadcast_in_dim3A_225, %parallel_loop3A_282] : memref<12x256xf32, #tpu.memory_space<vmem>>[vector<16xi32>, vector<16xi32>], vector<16xf32>,
      %parallel_loop3A_291 = tpu.vector_load_idx %arg7[%broadcast_in_dim3A_227, %parallel_loop3A_282] : memref<12x256xf32, #tpu.memory_space<vmem>>[vector<16xi32>, vector<16xi32>], vector<16xf32>,
      %parallel_loop3A_292 = tpu.vector_load_idx %arg7[%broadcast_in_dim3A_229, %parallel_loop3A_282] : memref<12x256xf32, #tpu.memory_space<vmem>>[vector<16xi32>, vector<16xi32>], vector<16xf32>,
      %parallel_loop3A_293 = tpu.vector_load_idx %arg7[%broadcast_in_dim3A_231, %parallel_loop3A_282] : memref<12x256xf32, #tpu.memory_space<vmem>>[vector<16xi32>, vector<16xi32>], vector<16xf32>,
      %parallel_loop3A_294 = tpu.vector_load_idx %arg7[%broadcast_in_dim3A_233, %parallel_loop3A_282] : memref<12x256xf32, #tpu.memory_space<vmem>>[vector<16xi32>, vector<16xi32>], vector<16xf32>,
      %parallel_loop3A_295 = arith.constant 512 : i32
      %parallel_loop3A_296 = arith.muli %parallel_loop3A_262, %parallel_loop3A_295 : i32
      %parallel_loop3A_297 = arith.constant 16 : i32
      %parallel_loop3A_298 = arith.muli %parallel_loop3A_278, %parallel_loop3A_297 : i32
      %parallel_loop3A_299 = arith.addi %parallel_loop3A_296, %parallel_loop3A_298 : i32
      %parallel_loop3A_300 = arith.constant 0 : i32
      %parallel_loop3A_301 = arith.constant 0 : i32
      %parallel_loop3A_302 = arith.constant 4 : i32
      %parallel_loop3A_303 = arith.addi %parallel_loop3A_301, %parallel_loop3A_302 : i32
      %parallel_loop3A_304 = arith.constant 1 : i32
      scf.for %scan3A = %parallel_loop3A_301 to %parallel_loop3A_303 step %parallel_loop3A_304  : i32 {
        %parallel_loop3A_306 = arith.constant 0 : i32
        %parallel_loop3A_307 = arith.addi %parallel_loop3A_299, %parallel_loop3A_306 : i32
        %parallel_loop3A_308 = arith.index_cast %scan3A : i32 to index
        %parallel_loop3A_309 = arith.index_cast %parallel_loop3A_307 : i32 to index
        %parallel_loop3A_310 = tpu.vector_load %arg9[%parallel_loop3A_308, %parallel_loop3A_309] {strides = array<i32>} : memref<4x2048xf32, #tpu.memory_space<vmem>>, vector<16xf32>,
        %parallel_loop3A_311 = arith.constant 128 : i32
        %parallel_loop3A_312 = arith.addi %parallel_loop3A_299, %parallel_loop3A_311 : i32
        %parallel_loop3A_313 = arith.index_cast %scan3A : i32 to index
        %parallel_loop3A_314 = arith.index_cast %parallel_loop3A_312 : i32 to index
        %parallel_loop3A_315 = tpu.vector_load %arg9[%parallel_loop3A_313, %parallel_loop3A_314] {strides = array<i32>} : memref<4x2048xf32, #tpu.memory_space<vmem>>, vector<16xf32>,
        %parallel_loop3A_316 = arith.constant 256 : i32
        %parallel_loop3A_317 = arith.addi %parallel_loop3A_299, %parallel_loop3A_316 : i32
        %parallel_loop3A_318 = arith.index_cast %scan3A : i32 to index
        %parallel_loop3A_319 = arith.index_cast %parallel_loop3A_317 : i32 to index
        %parallel_loop3A_320 = tpu.vector_load %arg9[%parallel_loop3A_318, %parallel_loop3A_319] {strides = array<i32>} : memref<4x2048xf32, #tpu.memory_space<vmem>>, vector<16xf32>,
        %parallel_loop3A_321 = arith.constant 384 : i32
        %parallel_loop3A_322 = arith.addi %parallel_loop3A_299, %parallel_loop3A_321 : i32
        %parallel_loop3A_323 = arith.index_cast %scan3A : i32 to index
        %parallel_loop3A_324 = arith.index_cast %parallel_loop3A_322 : i32 to index
        %parallel_loop3A_325 = tpu.vector_load %arg9[%parallel_loop3A_323, %parallel_loop3A_324] {strides = array<i32>} : memref<4x2048xf32, #tpu.memory_space<vmem>>, vector<16xf32>,
        %parallel_loop3A_326 = arith.mulf %parallel_loop3A_310, %parallel_loop3A_283 : vector<16xf32>
        %parallel_loop3A_327 = arith.mulf %parallel_loop3A_315, %parallel_loop3A_287 : vector<16xf32>
        %parallel_loop3A_328 = arith.addf %parallel_loop3A_326, %parallel_loop3A_327 : vector<16xf32>
        %parallel_loop3A_329 = arith.mulf %parallel_loop3A_320, %parallel_loop3A_291 : vector<16xf32>
        %parallel_loop3A_330 = arith.addf %parallel_loop3A_328, %parallel_loop3A_329 : vector<16xf32>
        %parallel_loop3A_331 = arith.constant 0 : i32
        %parallel_loop3A_332 = arith.addi %parallel_loop3A_299, %parallel_loop3A_331 : i32
        %parallel_loop3A_333 = arith.index_cast %scan3A : i32 to index
        %parallel_loop3A_334 = arith.index_cast %parallel_loop3A_332 : i32 to index
        %parallel_loop3A_335 = tpu.vector_load %arg10[%parallel_loop3A_333, %parallel_loop3A_334] {strides = array<i32>} : memref<4x2048xf32, #tpu.memory_space<vmem>>, vector<16xf32>,
        tpu.vector_store %arg10[%parallel_loop3A_333, %parallel_loop3A_334], %parallel_loop3A_330 {strides = array<i32>} : memref<4x2048xf32, #tpu.memory_space<vmem>>, vector<16xf32>,
        %parallel_loop3A_336 = arith.mulf %parallel_loop3A_310, %parallel_loop3A_284 : vector<16xf32>
        %parallel_loop3A_337 = arith.mulf %parallel_loop3A_315, %parallel_loop3A_288 : vector<16xf32>
        %parallel_loop3A_338 = arith.addf %parallel_loop3A_336, %parallel_loop3A_337 : vector<16xf32>
        %parallel_loop3A_339 = arith.mulf %parallel_loop3A_320, %parallel_loop3A_292 : vector<16xf32>
        %parallel_loop3A_340 = arith.addf %parallel_loop3A_338, %parallel_loop3A_339 : vector<16xf32>
        %parallel_loop3A_341 = arith.constant 128 : i32
        %parallel_loop3A_342 = arith.addi %parallel_loop3A_299, %parallel_loop3A_341 : i32
        %parallel_loop3A_343 = arith.index_cast %scan3A : i32 to index
        %parallel_loop3A_344 = arith.index_cast %parallel_loop3A_342 : i32 to index
        %parallel_loop3A_345 = tpu.vector_load %arg10[%parallel_loop3A_343, %parallel_loop3A_344] {strides = array<i32>} : memref<4x2048xf32, #tpu.memory_space<vmem>>, vector<16xf32>,
        tpu.vector_store %arg10[%parallel_loop3A_343, %parallel_loop3A_344], %parallel_loop3A_340 {strides = array<i32>} : memref<4x2048xf32, #tpu.memory_space<vmem>>, vector<16xf32>,
        %parallel_loop3A_346 = arith.mulf %parallel_loop3A_310, %parallel_loop3A_285 : vector<16xf32>
        %parallel_loop3A_347 = arith.mulf %parallel_loop3A_315, %parallel_loop3A_289 : vector<16xf32>
        %parallel_loop3A_348 = arith.addf %parallel_loop3A_346, %parallel_loop3A_347 : vector<16xf32>
        %parallel_loop3A_349 = arith.mulf %parallel_loop3A_320, %parallel_loop3A_293 : vector<16xf32>
        %parallel_loop3A_350 = arith.addf %parallel_loop3A_348, %parallel_loop3A_349 : vector<16xf32>
        %parallel_loop3A_351 = arith.constant 256 : i32
        %parallel_loop3A_352 = arith.addi %parallel_loop3A_299, %parallel_loop3A_351 : i32
        %parallel_loop3A_353 = arith.index_cast %scan3A : i32 to index
        %parallel_loop3A_354 = arith.index_cast %parallel_loop3A_352 : i32 to index
        %parallel_loop3A_355 = tpu.vector_load %arg10[%parallel_loop3A_353, %parallel_loop3A_354] {strides = array<i32>} : memref<4x2048xf32, #tpu.memory_space<vmem>>, vector<16xf32>,
        tpu.vector_store %arg10[%parallel_loop3A_353, %parallel_loop3A_354], %parallel_loop3A_350 {strides = array<i32>} : memref<4x2048xf32, #tpu.memory_space<vmem>>, vector<16xf32>,
        %parallel_loop3A_356 = arith.mulf %parallel_loop3A_310, %parallel_loop3A_286 : vector<16xf32>
        %parallel_loop3A_357 = arith.mulf %parallel_loop3A_315, %parallel_loop3A_290 : vector<16xf32>
        %parallel_loop3A_358 = arith.addf %parallel_loop3A_356, %parallel_loop3A_357 : vector<16xf32>
        %parallel_loop3A_359 = arith.mulf %parallel_loop3A_320, %parallel_loop3A_294 : vector<16xf32>
        %parallel_loop3A_360 = arith.addf %parallel_loop3A_358, %parallel_loop3A_359 : vector<16xf32>
        %parallel_loop3A_361 = arith.addf %parallel_loop3A_360, %parallel_loop3A_325 : vector<16xf32>
        %parallel_loop3A_362 = arith.constant 384 : i32
        %parallel_loop3A_363 = arith.addi %parallel_loop3A_299, %parallel_loop3A_362 : i32
        %parallel_loop3A_364 = arith.index_cast %scan3A : i32 to index
        %parallel_loop3A_365 = arith.index_cast %parallel_loop3A_363 : i32 to index
        %parallel_loop3A_366 = tpu.vector_load %arg10[%parallel_loop3A_364, %parallel_loop3A_365] {strides = array<i32>} : memref<4x2048xf32, #tpu.memory_space<vmem>>, vector<16xf32>,
        tpu.vector_store %arg10[%parallel_loop3A_364, %parallel_loop3A_365], %parallel_loop3A_361 {strides = array<i32>} : memref<4x2048xf32, #tpu.memory_space<vmem>>, vector<16xf32>,
      }
      %parallel_loop3A_305 = arith.constant 4 : i32
    } {sc.loop_unroll_factor = 1 : i64, sc.parallel_access}
    %mul3A_236 = arith.constant 2048 : i32
    %mul3A_237 = arith.muli %add3A, %mul3A_236 : i32
    "tpu.region"() ({
      %run_scoped3A = tpu.sem_alloc : memref<!tpu.dma_semaphore, #tpu.memory_space<semaphore_mem>>
      %dma_start3A_238 = arith.constant 0 : i32
      %dma_start3A_239 = tpu.memref_slice %arg5[%dma_start3A_238, %mul3A_237] : memref<4x65536xf32, #tpu.memory_space<hbm>> -> memref<4x2048xf32, #tpu.memory_space<hbm>>
      %dma_start3A_240 = arith.constant 0 : i32
      %dma_start3A_241 = tpu.memref_slice %arg5[%dma_start3A_240, %mul3A_237] : memref<4x65536xf32, #tpu.memory_space<hbm>> -> memref<4x2048xf32, #tpu.memory_space<hbm>>
      tpu.enqueue_dma source(%arg10 : memref<4x2048xf32, #tpu.memory_space<vmem>>) target(%dma_start3A_241 : memref<4x2048xf32, #tpu.memory_space<hbm>>) target_semaphore(%run_scoped3A : memref<!tpu.dma_semaphore, #tpu.memory_space<semaphore_mem>>)
      %dma_wait3A_242 = arith.constant 0 : i32
      %dma_wait3A_243 = tpu.memref_slice %arg5[%dma_wait3A_242, %mul3A_237] : memref<4x65536xf32, #tpu.memory_space<hbm>> -> memref<4x2048xf32, #tpu.memory_space<hbm>>
      %dma_wait3A_244 = arith.constant 0 : i32
      %dma_wait3A_245 = tpu.memref_slice %arg5[%dma_wait3A_244, %mul3A_237] : memref<4x65536xf32, #tpu.memory_space<hbm>> -> memref<4x2048xf32, #tpu.memory_space<hbm>>
      tpu.wait_dma2 semaphore(%run_scoped3A : memref<!tpu.dma_semaphore, #tpu.memory_space<semaphore_mem>>) src(%arg10 : memref<4x2048xf32, #tpu.memory_space<vmem>>) dst(%dma_wait3A_245 : memref<4x2048xf32, #tpu.memory_space<hbm>>)
      tpu.yield
    }) : () -> ()
    return
  }
}

</mosaic_0001>

<sc_bundles>
// kernel: kernel.3.cloned.1.call-start
scs
__scs_entry_jumppad:
0x0: {  	(pc) =	sbr.rel $0x88, $3  }
0x1: {  	(tag) =	ssettag $0x0;
	lr =	simm.s32 $0x1  }
0x2: {  	[smem:$0x3F9E] =	sst lr;
	_ =	strace $0xD0000000  }
0x3: {  	_ = 	snop  }
0x4: {  	_ = 	snop  }
0x5: {  	_ = 	snop  }
0x6: {  	_ = 	snop  }
0x7: {  	_ = 	snop  }
__scs_overlays_trampoline_lowered:
0x8: {  	[smem:$0x3FAD] =	sst s0  }
0x9: {  	[smem:$0x3FAE] =	sst s1  }
0xa: {  	[smem:$0x3FAF] =	sst s2  }
0xb: {  	[smem:$0x3FB0] =	sst s3  }
0xc: {  	[smem:$0x3FB1] =	sst s4  }
0xd: {  	[smem:$0x3FB2] =	sst s5  }
0xe: {  	[smem:$0x3FB3] =	sst s6  }
0xf: {  	[smem:$0x3FB4] =	sst s7  }
0x10: {  	[smem:$0x3FB5] =	sst s8  }
0x11: {  	[smem:$0x3FB6] =	sst s9;
	s0 =	simm.s32 @!p0 $0x0  }
0x12: {  	s1 =	sld [smem:$0x3F9C];
	s0 =	simm.s32 @p0 $0x1  }
0x13: {  	[smem:$0x3FB7] =	sst s0;
	s0 =	simm.s32 @!p1 $0x0  }
0x14: {  	s2 =	sld [smem:$0x3F9B];
	s0 =	simm.s32 @p1 $0x1  }
0x15: {  	[smem:$0x3FB8] =	sst s0;
	s0 =	simm.s32 @!p2 $0x0  }
0x16: {  	s3 =	sld [smem:$0x3FDB];
	s0 =	simm.s32 @p2 $0x1  }
0x17: {  	s4 =	simm.s32 $0x1BF5;
	[smem:$0x3FBA] =	sst s0  }
0x18: {  	s0 =	sld [smem:$0x3F9D];
	_ =	swait.ge [sflag:s4], $0x0  }
0x19: {  	s7 =	sld [smem:$0x3F9E]  }
0x1a: {  	s8 =	sadd.s32 $0xFFFFE003, lr  }
0x1b: {  	s9 =	sadd.s32 $0xFFFFFEF7, lr;
	s5 =	simm.s32 $0xFFFFFFFF;
	p2 =	slt.u32 s8, $0xFFFFF086  }
0x1c: {  	p1 =	slt.u32 s9, $0xF7A;
	s5 =	simm.s32 @!p2 $0x0  }
0x1d: {  	s5 =	simm.s32 @p1 $0x1;
	p0 =	seq.s32 s7, s2  }
0x1e: {  	s7 =	smul.u32 @!p0 $0xF7A, s2;
	p2 =	seq.s32 @!p0 s5, $0x0  }
0x1f: {  	s9 =	smul.u32 $0xF7A, s1;
	s8 =	simm.s32 @!p0 $0x1BF5;
	p2 =	por !p2, p0  }
0x20: {  	[sflag:s8] =	ssyncset.s32 @!p0 $0xFFFFF086;
	s6 =	sadd.s32 @!p0 s3, s7;
	s7 =	simm.s32 @!p0 $0x108  }
0x21: {  	s3 =	sadd.s32 s3, s9;
	s6 =	sadd.s32 @!p0 $0x88, s6;
	s7 =	simm.s32 @p2 $0x1082  }
0x22: {  	[simem:s7], [sflag:s8] =	dma.local @!p0 [hbm:s6], $0xF7A  }
0x23: {  	s9 =	sor.u32 $0xD0000000, s2;
	s6 =	simm.s32 $0x108;
	_ =	swait.ge @!p0 [sflag:s8], $0x0  }
0x24: {  	s3 =	sadd.s32 $0x88, s3;
	s6 =	simm.s32 @!p1 $0x1082;
	[sflag:s4] =	ssyncset.s32 $0xFFFFF086  }
0x25: {  	[simem:s6], [sflag:s4] =	dma.local [hbm:s3], $0xF7A  }
0x26: {  	[smem:$0x3F9E] =	sst s1;
	(tag) =	ssettag s2;
	_ =	strace s9  }
0x27: {  	s1 =	sld [smem:$0x3FAE]  }
0x28: {  	s2 =	sld [smem:$0x3FAF]  }
0x29: {  	s4 =	sld [smem:$0x3FB1]  }
0x2a: {  	p0 =	seq.s32 s5, $0x0;
	s5 =	sld [smem:$0x3FB2]  }
0x2b: {  	s6 =	sld [smem:$0x3FB3]  }
0x2c: {  	s7 =	sld [smem:$0x3FB4]  }
0x2d: {  	s3 =	simm.s32 $0x108;
	s8 =	sld [smem:$0x3FB5]  }
0x2e: {  	s3 =	simm.s32 @!p0 $0x1082;
	s9 =	sld [smem:$0x3FB6]  }
0x2f: {  	lr =	sadd.s32 s0, s3;
	s0 =	sld [smem:$0x3FAD]  }
0x30: {  	s3 =	sld [smem:$0x3FB0]  }
0x31: {  	[smem:$0x3FB9] =	sst s10  }
0x32: {  	s10 =	sld [smem:$0x3FB7];
	_ =	sdelay $0x3  }
0x33: {  	p0 =	seq.s32 s10, $0x1;
	s10 =	sld [smem:$0x3FB9];
	_ =	sdelay $0x3  }
0x34: {  	[smem:$0x3FB9] =	sst s10  }
0x35: {  	s10 =	sld [smem:$0x3FB8];
	_ =	sdelay $0x3  }
0x36: {  	p1 =	seq.s32 s10, $0x1;
	s10 =	sld [smem:$0x3FB9];
	_ =	sdelay $0x3  }
0x37: {  	[smem:$0x3FB9] =	sst s10  }
0x38: {  	s10 =	sld [smem:$0x3FBA]  }
0x39: {  	_ = 	snop;
	(pc) =	sbr.ind lr, $3  }
0x3a: {  	_ = 	snop  }
0x3b: {  	_ = 	snop  }
0x3c: {  	p2 =	seq.s32 s10, $0x1;
	s10 =	sld [smem:$0x3FB9]  }
0x3d: {  	_ =	shalt  }
0x3e: {  	_ =	shalt  }
0x3f: {  	_ =	shalt  }
0x40: {  	_ =	shalt  }
0x41: {  	_ =	shalt  }
0x42: {  	_ =	shalt  }
0x43: {  	_ =	shalt  }
0x44: {  	_ =	shalt  }
0x45: {  	_ =	shalt  }
0x46: {  	_ =	shalt  }
0x47: {  	_ =	shalt  }
0x48: {  	_ =	shalt  }
0x49: {  	_ =	shalt  }
0x4a: {  	_ =	shalt  }
0x4b: {  	_ =	shalt  }
0x4c: {  	_ =	shalt  }
0x4d: {  	_ =	shalt  }
0x4e: {  	_ =	shalt  }
0x4f: {  	_ =	shalt  }
0x50: {  	_ =	shalt  }
0x51: {  	_ =	shalt  }
0x52: {  	_ =	shalt  }
0x53: {  	_ =	shalt  }
0x54: {  	_ =	shalt  }
0x55: {  	_ =	shalt  }
0x56: {  	_ =	shalt  }
0x57: {  	_ =	shalt  }
0x58: {  	_ =	shalt  }
0x59: {  	_ =	shalt  }
0x5a: {  	_ =	shalt  }
0x5b: {  	_ =	shalt  }
0x5c: {  	_ =	shalt  }
0x5d: {  	_ =	shalt  }
0x5e: {  	_ =	shalt  }
0x5f: {  	_ =	shalt  }
0x60: {  	_ =	shalt  }
0x61: {  	_ =	shalt  }
0x62: {  	_ =	shalt  }
0x63: {  	_ =	shalt  }
0x64: {  	_ =	shalt  }
0x65: {  	_ =	shalt  }
0x66: {  	_ =	shalt  }
0x67: {  	_ =	shalt  }
0x68: {  	_ =	shalt  }
0x69: {  	_ =	shalt  }
0x6a: {  	_ =	shalt  }
0x6b: {  	_ =	shalt  }
0x6c: {  	_ =	shalt  }
0x6d: {  	_ =	shalt  }
0x6e: {  	_ =	shalt  }
0x6f: {  	_ =	shalt  }
0x70: {  	_ =	shalt  }
0x71: {  	_ =	shalt  }
0x72: {  	_ =	shalt  }
0x73: {  	_ =	shalt  }
0x74: {  	_ =	shalt  }
0x75: {  	_ =	shalt  }
0x76: {  	_ =	shalt  }
0x77: {  	_ =	shalt  }
0x78: {  	_ =	shalt  }
0x79: {  	_ =	shalt  }
0x7a: {  	_ =	shalt  }
0x7b: {  	_ =	shalt  }
0x7c: {  	_ =	shalt  }
0x7d: {  	_ =	shalt  }
0x7e: {  	_ =	shalt  }
0x7f: {  	_ =	shalt  }
0x80: {  	_ =	shalt  }
0x81: {  	_ =	shalt  }
0x82: {  	_ =	shalt  }
0x83: {  	_ =	shalt  }
0x84: {  	_ =	shalt  }
0x85: {  	_ =	shalt  }
0x86: {  	_ =	shalt  }
0x87: {  	_ =	shalt  }
.Lfunc_end0:
.L_simem_size_0:
called_computation_lowered:
.L_overlay_start_0:
0x88: {  	s2 =	sld [smem:$0x3FD9]  }
0x89: {  	s3 =	sld [smem:$0x3FFE];
	_ =	sdelay $0x1  }
0x8a: {  	s1 =	srdreg.scid  }
0x8b: {  	s0 =	sand.u32 $0x1, s1  }
0x8c: {  	s17 =	sshll.u32 s0, $0xA;
	s2 =	sadd.s32 s3, s2  }
0x8d: {  	s2 =	sadd.s32 s2, s17  }
0x8e: {  	[smem:$0x3FC5] =	sst s2  }
0x8f: {  	_ = 	snop  }
0x90: {  	s2 =	sld [smem:$0x3FC9]  }
0x91: {  	s18 =	sld [smem:$0x3FC8]  }
0x92: {  	s4 =	sld [smem:$0x3FD0];
	(tm) =	ssettm $0x1  }
0x93: {  	s5 =	sld [smem:$0x3FFB];
	_ =	sdelay $0x3  }
0x94: {  	_ =	strace s5  }
0x95: {  	s5 =	sld [smem:$0x3FFC];
	_ =	sdelay $0x3  }
0x96: {  	_ =	strace s5  }
0x97: {  	s5 =	sld [smem:$0x3FFD];
	_ =	sdelay $0x3  }
0x98: {  	_ =	strace s5  }
0x99: {  	_ =	strace $0x8FFFFFFF  }
0x9a: {  	s19 =	sld [smem:$0x3FDB];
	_ =	sdelay $0x1  }
0x9b: {  	s6 =	simm.s32 $_scs_section_size  }
0x9c: {  	s7 =	simm.s32 $_size__tile_overlayer_lowered;
	s8 =	simm.s32 $_tile_overlayer_lowered  }
0x9d: {  	s22 =	simm.s32 $0x1BFF;
	s21 =	sshll.u32 s8, $0x1;
	s5 =	sadd.s32 s6, s19  }
0x9e: {  	s9 =	simm.s32 $0x0;
	s20 =	sshll.u32 s7, $0x1;
	s7 =	sadd.s32 s21, s5  }
0x9f: {  	[timem:s9], [sflag:s22] =	dma.local [hbm:s7], s20  }
0xa0: {  	_ =	swait.ge [sflag:s22], s20  }
0xa1: {  	s6 =	ssub.s32 $0x0, s20;
	[sflag:s22] =	ssyncset.done $0x0  }
0xa2: {  	[sflag:s22] =	ssyncadd.s32 s6;
	_ =	sdelay $0x1  }
0xa3: {  	s23 =	simm.s32 $0x1B8B  }
0xa4: {  	_ =	swait.ge [sflag:s23], $0x1  }
0xa5: {  	[sflag:s23] =	ssyncset.done $0x0  }
0xa6: {  	s25 =	simm.s32 $0x1B8E;
	s24 =	sld [smem:$0x3FFE];
	[sflag:s23] =	ssyncadd.s32 $0xFFFFFFFF  }
0xa7: {  	s26 =	simm.s32 $execute0_lowered;
	[smem:$0x3FD2] =	sst s25  }
0xa8: {  	s7 =	sshll.u32 s26, $0x1;
	_ =	strace $0x80000046;
	[dreg:$0x1] =	wrdreg $0xFFFFFFFF  }
0xa9: {  	s28 =	simm.s32 $_size_execute0_lowered;
	s5 =	sadd.s32 s5, s7;
	[dreg:$0x0] =	wrdreg $0x0  }
0xaa: {  	s7 =	sshll.u32 s28, $0x1;
	[dreg:$0x2] =	wrdreg s5  }
0xab: {  	[dreg:$0x3] =	wrdreg s7  }
0xac: {  	[dreg:$0x4] =	wrdreg $0xC0  }
0xad: {  	_ =	task [dreg:s9], $0x5FFFF  }
0xae: {  	[dreg:$0x1] =	wrdreg $0xFFFFFFFF  }
0xaf: {  	[dreg:$0x0] =	wrdreg $0x60  }
0xb0: {  	[dreg:$0x2] =	wrdreg s24  }
0xb1: {  	[dreg:$0x3] =	wrdreg s18  }
0xb2: {  	[dreg:$0x4] =	wrdreg s2  }
0xb3: {  	[dreg:$0x5] =	wrdreg s4  }
0xb4: {  	[dreg:$0x6] =	wrdreg $0x4F500  }
0xb5: {  	[dreg:$0x7] =	wrdreg $0x9  }
0xb6: {  	_ =	task.clear_ibuf [dreg:s9], $0x8FFFF;
	_ =	strace $0x90000046  }
0xb7: {  	s29 =	simm.s32 $0x9;
	_ =	strace $0x80000048  }
0xb8: {  	_ =	swait.ge [sflag:s29], $0x1  }
0xb9: {  	[sflag:s29] =	ssyncadd.s32 $0xFFFFFFFF  }
0xba: {  	_ =	strace $0x90000048  }
0xbb: {  	_ =	sfence  }
0xbc: {  	s30 =	sld [smem:$0x0];
	_ =	sdelay $0x2  }
0xbd: {  	s31 =	sshll.u32 s1, $0xD;
	s1 =	sshrl.u32 s1, $0x2  }
0xbe: {  	s3 =	sand.u32 $0x4000, s31;
	s1 =	sadd.s32 s1, s30  }
0xbf: {  	s0 =	sor.u32 s3, s0;
	s1 =	sshll.u32 s1, $0x11  }
0xc0: {  	s0 =	sor.u32 s1, s0  }
0xc1: {  	s0 =	sadd.s32 $0x8F2B, s0  }
0xc2: {  	[sflag:s0] =	ssyncadd.remote.s32 $0x1  }
0xc3: {  	_ =	sfence.sel $0xFFFF  }
0xc4: {  	[dreg:$0x0] =	wrdreg $0xFFFFFFFF;
	(pc) =	sbr.abs _section_cstart, $3  }
0xc5: {  	[dreg:$0x1] =	wrdreg $0xFFFFFFFF  }
0xc6: {  	_ =	task.clear_ibuf [dreg:s9], $0x2FFFF;
	_ =	strace $0x9FFFFFFF  }
0xc7: {  	(tm) =	ssettm $0x7FFFFFFF  }
tec
execute0_lowered:
.L_overlay_start_1:
0x0: {  	(tag) =	ssettag $0x1  }
0x1: {  	s4 =	rddreg [dreg:$0x0]  }
0x2: {  	s5 =	rddreg [dreg:$0x1]  }
0x3: {  	s6 =	rddreg [dreg:$0x2]  }
0x4: {  	s8 =	rddreg [dreg:$0x3]  }
0x5: {  	s2 =	rddreg [dreg:$0x4]  }
0x6: {  	s0 =	rddreg [dreg:$0x5];
	s7 =	srdreg.scid  }
0x7: {  	s3 =	simm.s32 $0x0;
	s1 =	stileid.u32;
	s12 =	simm.s32 $0xC90  }
0x8: {  	s13 =	simm.s32 $0x800;
	s14 =	simm.s32 $0x10000;
	s15 =	simm.s32 $0xE90  }
0x9: {  	s16 =	simm.s32 $0x1;
	s17 =	simm.s32 $0x4E90;
	s18 =	simm.s32 $0x3  }
0xa: {  	s19 =	simm.s32 $0x90;
	s20 =	simm.s32 $0x2;
	s21 =	simm.s32 $0x2E90  }
0xb: {  	s22 =	simm.s32 $0x0;
	s7 =	sand.u32 $0x1, s7;
	[smem:$0x7FF] =	sst s3  }
0xc: {  	s9 =	sshll.u32 s1, $0x1;
	s31 =	sshll.u32 s1, $0x4;
	s10 =	ssub.s32 $0x2, s7  }
0xd: {  	_ =	strace $0x80000047;
	s4 =	sadd.s32 s9, s4;
	s7 =	sor.u32 s7, s9  }
0xe: {  	s11 =	sshrl.u32 s10, $0x1;
	s4 =	sadd.s32 $0x400, s4;
	s9 =	sshll.u32 s7, $0x6  }
0xf: {  	s30 =	sshll.u32 s7, $0x8;
	s7 =	sadd.s32 s31, s2;
	s10 =	ssub.s32 s10, s11  }
0x10: {  	s5 =	sadd.s32 s5, s9;
	s6 =	sadd.s32 s6, s30;
	s8 =	sadd.s32 s8, s30  }
0x11: {  	s11 =	simm.s32 $0x100;
	s9 =	smax.u32 s10, $0x1;
	s10 =	simm.s32 $0x10  }
.LBB2_1:
0x12: {  	[tilespmem:s3], [sflag:$0x1] =	stream.strided.gather [hbm4b:s4+s10], $0x90, s11, s10, $0x38;
	[tilespmem:$0x5010] =	vst v63  }
0x13: {  	_ = 	snop  }
0x14: {  	[tilespmem:s12], [sflag:$0x2] =	stream.linear.gather [hbm4b:s5+s3], $0x200, $0x38;
	[tilespmem:$0x5010] =	vst v63  }
0x15: {  	_ = 	snop  }
0x16: {  	[tilespmem:s15], [sflag:$0x2] =	stream.strided.gather [hbm4b:s6+s13], $0x2000, s14, s13, $0x38;
	[tilespmem:$0x5010] =	vst v63  }
0x17: {  	_ =	swait.ge [sflag:s16], $0x90  }
0x18: {  	[sflag:s16] =	ssyncset.done $0x0  }
0x19: {  	[sflag:s16] =	ssyncadd.s32 $0xFFFFFF70  }
0x1a: {  	v0 =	vld [tilespmem:$0x30];
	_ =	sdelay $0x1  }
0x1b: {  	v1 =	vld [tilespmem:$0x40];
	_ =	sdelay $0x1  }
0x1c: {  	v2 =	vld [tilespmem:$0x50]  }
0x1d: {  	v0 =	vadd.f32 $1.000000000e+00, v0;
	_ =	sdelay $0x1  }
0x1e: {  	v4 =	vmul.f32 v1, v1;
	v3 =	vmul.f32 v0, v0;
	_ =	sdelay $0x1  }
0x1f: {  	v3 =	vadd.f32 v4, v3;
	v4 =	vmul.f32 v2, v2;
	_ =	sdelay $0x1  }
0x20: {  	v3 =	vadd.f32 v4, v3;
	_ =	sdelay $0x1  }
0x21: {  	v4 =	vshra.s32 v3, $0x1;
	v3 =	vmul.f32 $5.000000000e-01, v3  }
0x22: {  	v4 =	vsub.s32 $0x5F3759DF, v4  }
0x23: {  	v5 =	vmul.f32 v4, v3;
	_ =	sdelay $0x1  }
0x24: {  	v5 =	vmul.f32 v4, v5;
	_ =	sdelay $0x1  }
0x25: {  	v5 =	vsub.f32 $1.500000000e+00, v5;
	_ =	sdelay $0x1  }
0x26: {  	v4 =	vmul.f32 v4, v5;
	_ =	sdelay $0x1  }
0x27: {  	v5 =	vmul.f32 v4, v3;
	_ =	sdelay $0x1  }
0x28: {  	v5 =	vmul.f32 v5, v4;
	_ =	sdelay $0x1  }
0x29: {  	v5 =	vsub.f32 $1.500000000e+00, v5;
	_ =	sdelay $0x1  }
0x2a: {  	v4 =	vmul.f32 v5, v4;
	_ =	sdelay $0x1  }
0x2b: {  	v3 =	vmul.f32 v4, v3;
	_ =	sdelay $0x1  }
0x2c: {  	v3 =	vmul.f32 v3, v4;
	_ =	sdelay $0x1  }
0x2d: {  	v5 =	vld [tilespmem:$0x70];
	v3 =	vsub.f32 $1.500000000e+00, v3;
	_ =	sdelay $0x1  }
0x2e: {  	v6 =	vld [tilespmem:$0x60];
	v3 =	vmul.f32 v3, v4;
	_ =	sdelay $0x1  }
0x2f: {  	v4 =	vld [tilespmem:$0x80];
	v3 =	vmin.f32 v3, $9.999999950e+11  }
0x30: {  	v5 =	vadd.f32 $1.000000000e+00, v5;
	v0 =	vmul.f32 v3, v0;
	v1 =	vmul.f32 v3, v1  }
0x31: {  	v2 =	vmul.f32 v3, v2  }
0x32: {  	v3 =	vmul.f32 v0, v6;
	v7 =	vmul.f32 v1, v5;
	_ =	sdelay $0x1  }
0x33: {  	v3 =	vadd.f32 v7, v3;
	v7 =	vmul.f32 v2, v4;
	_ =	sdelay $0x1  }
0x34: {  	v3 =	vadd.f32 v3, v7;
	_ =	sdelay $0x1  }
0x35: {  	v7 =	vmul.f32 v3, v0;
	v8 =	vmul.f32 v3, v1;
	_ =	sdelay $0x1  }
0x36: {  	v3 =	vmul.f32 v3, v2;
	v6 =	vsub.f32 v6, v7;
	v5 =	vsub.f32 v5, v8;
	_ =	sdelay $0x1  }
0x37: {  	v3 =	vsub.f32 v4, v3;
	v4 =	vmul.f32 v6, v6;
	v7 =	vmul.f32 v5, v5;
	_ =	sdelay $0x1  }
0x38: {  	v4 =	vadd.f32 v7, v4;
	v7 =	vmul.f32 v3, v3;
	_ =	sdelay $0x1  }
0x39: {  	v4 =	vadd.f32 v4, v7;
	_ =	sdelay $0x1  }
0x3a: {  	v7 =	vshra.s32 v4, $0x1;
	v4 =	vmul.f32 $5.000000000e-01, v4  }
0x3b: {  	v7 =	vsub.s32 $0x5F3759DF, v7  }
0x3c: {  	v8 =	vmul.f32 v7, v4;
	_ =	sdelay $0x1  }
0x3d: {  	v8 =	vmul.f32 v7, v8;
	_ =	sdelay $0x1  }
0x3e: {  	v8 =	vsub.f32 $1.500000000e+00, v8;
	_ =	sdelay $0x1  }
0x3f: {  	v7 =	vmul.f32 v7, v8;
	_ =	sdelay $0x1  }
0x40: {  	v8 =	vmul.f32 v7, v4;
	_ =	sdelay $0x1  }
0x41: {  	v8 =	vmul.f32 v8, v7;
	_ =	sdelay $0x1  }
0x42: {  	v8 =	vsub.f32 $1.500000000e+00, v8;
	_ =	sdelay $0x1  }
0x43: {  	v7 =	vmul.f32 v8, v7;
	_ =	sdelay $0x1  }
0x44: {  	v4 =	vmul.f32 v7, v4;
	_ =	sdelay $0x1  }
0x45: {  	v10 =	vld [tilespmem:$0x20];
	v4 =	vmul.f32 v4, v7;
	_ =	sdelay $0x1  }
0x46: {  	v4 =	vsub.f32 $1.500000000e+00, v4;
	_ =	sdelay $0x1  }
0x47: {  	v8 =	vld [tilespmem:$0x0];
	v4 =	vmul.f32 v4, v7  }
0x48: {  	[tilespmem:$0x4F40] =	vst v10  }
0x49: {  	[tilespmem:$0x4E90] =	vst v0;
	v4 =	vmin.f32 v4, $9.999999950e+11  }
0x4a: {  	[tilespmem:$0x4EA0] =	vst v1;
	v6 =	vmul.f32 v4, v6  }
0x4b: {  	[tilespmem:$0x4EB0] =	vst v2;
	v7 =	vld [tilespmem:$0x10];
	v5 =	vmul.f32 v4, v5;
	v3 =	vmul.f32 v4, v3  }
0x4c: {  	[tilespmem:$0x4EC0] =	vst v8  }
0x4d: {  	v4 =	vmul.f32 v3, v1;
	v8 =	vmul.f32 v5, v2;
	[tilespmem:$0x4ED0] =	vst v6  }
0x4e: {  	v2 =	vmul.f32 v6, v2;
	v9 =	vmul.f32 v3, v0;
	[tilespmem:$0x4EE0] =	vst v5  }
0x4f: {  	v0 =	vmul.f32 v5, v0;
	v1 =	vmul.f32 v6, v1;
	[tilespmem:$0x4EF0] =	vst v3;
	v4 =	vsub.f32 v4, v8  }
0x50: {  	[tilespmem:$0x4F00] =	vst v7;
	v2 =	vsub.f32 v2, v9  }
0x51: {  	v0 =	vsub.f32 v0, v1;
	[tilespmem:$0x4F10] =	vst v4  }
0x52: {  	[tilespmem:$0x4F20] =	vst v2  }
0x53: {  	[tilespmem:$0x4F30] =	vst v0  }
0x54: {  	[spmem:s7] =	stream.strided.scatter [tilespmem:s17], [sflag:$0x3], $0xC0, s11, s10, $0x38;
	[tilespmem:$0x5010] =	vst v63  }
0x55: {  	_ =	swait.ge [sflag:s18], $0xC0  }
0x56: {  	[sflag:s18] =	ssyncset.done $0x0  }
0x57: {  	[sflag:s18] =	ssyncadd.s32 $0xFFFFFF40  }
0x58: {  	[bflag:$0x0] =	sbarrier.arrive $0xFFFF  }
0x59: {  	[tilespmem:s19], [sflag:$0x3] =	stream.linear.gather [spmem:s2], $0xC00, $0x38;
	[tilespmem:$0x5010] =	vst v63  }
0x5a: {  	_ =	swait.ge [sflag:s18], $0xC00  }
0x5b: {  	[sflag:s18] =	ssyncset.done $0x0  }
0x5c: {  	[sflag:s18] =	ssyncadd.s32 $0xFFFFF400  }
0x5d: {  	_ =	swait.ge [sflag:s20], $0x200  }
0x5e: {  	[sflag:s20] =	ssyncset.done $0x0  }
0x5f: {  	[sflag:s20] =	ssyncadd.s32 $0xFFFFFE00  }
0x60: {  	_ =	swait.ge [sflag:s20], $0x2000  }
0x61: {  	s23 =	simm.s32 $0x0;
	[sflag:s20] =	ssyncset.done $0x0  }
0x62: {  	s24 =	sand.u32 $0x600, s3;
	s25 =	sand.u32 $0x70, s3;
	[sflag:s20] =	ssyncadd.s32 $0xFFFFE000  }
0x63: {  	v0 =	vld [tilespmem:s23+$0xC90];
	s23 =	sor.u32 s25, s24  }
0x64: {  	v8 =	vld [tilespmem:s23+$0x1790]  }
0x65: {  	v3 =	vld [tilespmem:s23+$0xF90]  }
0x66: {  	v11 =	vld [tilespmem:s23+$0x1E90]  }
0x67: {  	v6 =	vld [tilespmem:s23+$0x1F90]  }
0x68: {  	v10 =	vld [tilespmem:s23+$0x1710]  }
0x69: {  	v15 =	vld [tilespmem:s23+$0x2690];
	v1 =	vadd.s32 $0x900, v0  }
0x6a: {  	v4 =	vld [tilespmem:s23+$0x1F10];
	v2 =	vadd.s32 $0x400, v0  }
0x6b: {  	v7 =	vld [tilespmem:s23+$0x1690];
	v5 =	vadd.s32 $0x600, v0  }
0x6c: {  	v18 =	vld [tilespmem:s23+$0xF10];
	v9 =	vadd.s32 $0x300, v0  }
0x6d: {  	v13 =	vadd.s32 $0xA00, v0;
	v12 =	vld.idx.msk [tilespmem:v0+s19+$0x0], $0xffff  }
0x6e: {  	v16 =	vld.idx.msk [tilespmem:v1+s19+$0x0], $0xffff;
	v1 =	vadd.s32 $0x500, v0  }
0x6f: {  	v17 =	vld.idx.msk [tilespmem:v2+s19+$0x0], $0xffff  }
0x70: {  	v20 =	vld.idx.msk [tilespmem:v5+s19+$0x0], $0xffff  }
0x71: {  	v2 =	vadd.s32 $0x100, v0;
	v9 =	vld.idx.msk [tilespmem:v9+s19+$0x0], $0xffff  }
0x72: {  	v14 =	vadd.s32 $0xB00, v0;
	v21 =	vld.idx.msk [tilespmem:v13+s19+$0x0], $0xffff  }
0x73: {  	v5 =	vadd.s32 $0x700, v0;
	v24 =	vld.idx.msk [tilespmem:v1+s19+$0x0], $0xffff;
	v1 =	vmul.f32 v8, v16  }
0x74: {  	v13 =	vmul.f32 v11, v12;
	v22 =	vmul.f32 v15, v12  }
0x75: {  	v26 =	vmul.f32 v3, v16;
	v27 =	vmul.f32 v18, v17;
	[tilespmem:$0x1FFE0] =	vst v1  }
0x76: {  	v19 =	vadd.s32 $0x200, v0;
	v29 =	vmul.f32 v10, v20;
	v23 =	vmul.f32 v4, v20;
	v25 =	vld.idx.msk [tilespmem:v2+s19+$0x0], $0xffff  }
0x77: {  	v31 =	vmul.f32 v18, v20;
	v30 =	vmul.f32 v15, v9;
	v28 =	vld.idx.msk [tilespmem:v14+s19+$0x0], $0xffff  }
0x78: {  	v33 =	vmul.f32 v7, v9;
	v63 =	vmul.f32 v6, v21;
	v32 =	vld.idx.msk [tilespmem:v5+s19+$0x0], $0xffff  }
0x79: {  	v47 =	vmul.f32 v4, v17;
	v49 =	vmul.f32 v10, v17;
	v34 =	vld [tilespmem:s23+$0xE90]  }
0x7a: {  	v2 =	vmul.f32 v7, v12;
	v14 =	vmul.f32 v3, v21;
	v36 =	vld [tilespmem:s23+$0x2790]  }
0x7b: {  	v5 =	vadd.s32 $0x800, v0;
	v37 =	vld.idx.msk [tilespmem:v19+s19+$0x0], $0xffff;
	v0 =	vmul.f32 v6, v16;
	v19 =	vmul.f32 v11, v9  }
0x7c: {  	s29 =	simm.s32 $0x10;
	v39 =	vld [tilespmem:s23+$0x2710];
	v35 =	vmul.f32 v18, v24;
	v50 =	vmul.f32 v4, v24  }
0x7d: {  	v1 =	vld [tilespmem:s29+$0xC90];
	v38 =	vmul.f32 v7, v25;
	v41 =	vmul.f32 v6, v28  }
0x7e: {  	v48 =	vld [tilespmem:s23+$0x1810];
	v42 =	vmul.f32 v10, v32;
	v43 =	vmul.f32 v8, v28  }
0x7f: {  	s30 =	simm.s32 $0x10;
	s31 =	simm.s32 $0x40;
	v44 =	vld [tilespmem:s23+$0x2810];
	v46 =	vmul.f32 v3, v28;
	v60 =	vmul.f32 v36, v28  }
0x80: {  	s25 =	sand.u32 $0x600, s31;
	s24 =	sand.u32 $0x70, s30;
	v13 =	vadd.f32 v47, v13;
	v52 =	vld [tilespmem:s23+$0x1010];
	v18 =	vmul.f32 v18, v32;
	v28 =	vmul.f32 v8, v21  }
0x81: {  	s24 =	sor.u32 s24, s25;
	v47 =	vadd.f32 v49, v2;
	v49 =	vld [tilespmem:s23+$0x2010];
	v61 =	vmul.f32 v34, v25;
	v7 =	vmul.f32 v7, v37  }
0x82: {  	v2 =	vld [tilespmem:s24+$0x1790];
	v51 =	vadd.s32 $0x300, v1;
	v53 =	vadd.s32 $0x700, v1;
	v54 =	vmul.f32 v4, v32  }
0x83: {  	v45 =	vld.idx.msk [tilespmem:v5+s19+$0x0], $0xffff;
	v56 =	vadd.s32 $0x400, v1;
	v57 =	vadd.s32 $0xA00, v1;
	v9 =	vmul.f32 v34, v9  }
0x84: {  	v4 =	vld [tilespmem:s24+$0xF90];
	v12 =	vmul.f32 v34, v12;
	v59 =	vmul.f32 v36, v16;
	v33 =	vadd.f32 v42, v33  }
0x85: {  	v29 =	vadd.f32 v29, v7;
	v54 =	vadd.f32 v54, v19;
	v19 =	vmul.f32 v11, v25;
	v7 =	vld [tilespmem:s24+$0x1F90]  }
0x86: {  	v20 =	vmul.f32 v39, v20;
	v35 =	vadd.f32 v35, v61;
	v18 =	vadd.f32 v18, v9;
	v9 =	vld [tilespmem:s24+$0x1F10]  }
0x87: {  	v34 =	vmul.f32 v34, v37;
	v16 =	vadd.f32 v27, v12;
	v42 =	vadd.f32 v50, v19;
	v19 =	vld [tilespmem:s24+$0x2690]  }
0x88: {  	v25 =	vmul.f32 v15, v25;
	v15 =	vmul.f32 v15, v37;
	v58 =	vadd.f32 v28, v29;
	v28 =	vld [tilespmem:s24+$0x1690]  }
0x89: {  	v33 =	vadd.f32 v43, v33;
	v50 =	vadd.s32 $0x900, v1;
	v61 =	vadd.f32 v41, v54;
	v41 =	vld [tilespmem:s24+$0xF10]  }
0x8a: {  	v54 =	vadd.s32 $0xB00, v1;
	v18 =	vadd.f32 v46, v18;
	v29 =	vmul.f32 v3, v45;
	v3 =	vld.idx.msk [tilespmem:v57+s19+$0x0], $0xffff  }
0x8b: {  	v35 =	vadd.f32 v26, v35;
	v62 =	vmul.f32 v6, v45;
	v57 =	vmul.f32 v8, v45;
	v8 =	vld.idx.msk [tilespmem:v1+s19+$0x0], $0xffff  }
0x8c: {  	v6 =	vld [tilespmem:s24+$0x1E90];
	v48 =	vadd.f32 v33, v48;
	v33 =	vmul.f32 v36, v21;
	v21 =	vadd.s32 $0x600, v1  }
0x8d: {  	v12 =	vld.idx.msk [tilespmem:v56+s19+$0x0], $0xffff;
	v36 =	vmul.f32 v36, v45;
	v27 =	vadd.f32 v0, v42;
	v0 =	vadd.s32 $0x500, v1  }
0x8e: {  	v42 =	vmul.f32 v39, v17;
	v43 =	vadd.f32 v62, v13;
	v13 =	vld [tilespmem:s24+$0x1710];
	v62 =	vmul.f32 v11, v37  }
0x8f: {  	v45 =	vadd.f32 v29, v16;
	[tilespmem:s23+$0x3810] =	vst v48;
	v48 =	vadd.s32 $0x100, v1;
	v17 =	vld.idx.msk [tilespmem:v50+s19+$0x0], $0xffff;
	v50 =	vmul.f32 v39, v32  }
0x90: {  	v37 =	vadd.f32 v18, v52;
	v18 =	vld.idx.msk [tilespmem:v53+s19+$0x0], $0xffff;
	v32 =	vmul.f32 v39, v24;
	v5 =	vmul.f32 v19, v8  }
0x91: {  	v53 =	vadd.f32 v20, v15;
	v42 =	vadd.f32 v42, v22;
	[tilespmem:s23+$0x3E90] =	vst v43;
	v21 =	vld.idx.msk [tilespmem:v21+s19+$0x0], $0xffff  }
0x92: {  	v55 =	vadd.s32 $0x200, v1;
	v24 =	vmul.f32 v10, v24;
	v32 =	vadd.f32 v32, v25;
	v25 =	vld.idx.msk [tilespmem:v51+s19+$0x0], $0xffff;
	[tilespmem:$0x1FFF0] =	vst v5  }
0x93: {  	v39 =	vadd.f32 v61, v49;
	v46 =	vmul.f32 v6, v8;
	v22 =	vmul.f32 v41, v12;
	v10 =	vld.idx.msk [tilespmem:v0+s19+$0x0], $0xffff  }
0x94: {  	v56 =	vadd.f32 v36, v42;
	v51 =	vadd.f32 v24, v38;
	v38 =	vmul.f32 v4, v3;
	v26 =	vld.idx.msk [tilespmem:v48+s19+$0x0], $0xffff  }
0x95: {  	v48 =	vmul.f32 v28, v8;
	v0 =	vadd.s32 $0x800, v1;
	v54 =	vld.idx.msk [tilespmem:v54+s19+$0x0], $0xffff;
	[tilespmem:s23+$0x2F10] =	vst v35;
	v35 =	vmul.f32 v7, v3  }
0x96: {  	[tilespmem:s23+$0x3790] =	vst v58;
	v52 =	vadd.f32 v59, v32;
	v24 =	vld [tilespmem:s24+$0xE90];
	v16 =	vmul.f32 v4, v17;
	v29 =	vmul.f32 v2, v17  }
0x97: {  	v20 =	vld.idx.msk [tilespmem:v55+s19+$0x0], $0xffff;
	v1 =	vadd.f32 v50, v30;
	v30 =	vmul.f32 v7, v17;
	v43 =	vmul.f32 v13, v21  }
0x98: {  	v59 =	vadd.f32 v31, v34;
	v34 =	vld [tilespmem:s24+$0x2790];
	[tilespmem:s23+$0x3010] =	vst v37;
	v42 =	vmul.f32 v9, v21;
	v61 =	vmul.f32 v41, v21  }
0x99: {  	v57 =	vadd.f32 v57, v47;
	v32 =	vld [tilespmem:s24+$0x2710];
	[tilespmem:s23+$0x4010] =	vst v39;
	v49 =	vmul.f32 v19, v25;
	v58 =	vmul.f32 v28, v25  }
0x9a: {  	v55 =	vadd.f32 v23, v62;
	v50 =	vld [tilespmem:s24+$0x1810];
	[tilespmem:s23+$0x4710] =	vst v52;
	v52 =	vmul.f32 v6, v25;
	v36 =	vmul.f32 v41, v10  }
0x9b: {  	s26 =	simm.s32 $0x80;
	s25 =	simm.s32 $0x20;
	v47 =	vadd.f32 v60, v1;
	v31 =	vld.idx.msk [tilespmem:v0+s19+$0x0], $0xffff;
	v23 =	vmul.f32 v28, v26;
	v37 =	vmul.f32 v7, v54  }
.LBB2_2:
0x9c: {  	[tilespmem:s23+$0x4690] =	vst v56;
	v0 =	vmov v49  }
0x9d: {  	[tilespmem:$0x1FFA0] =	vst v0;
	v0 =	vmul.f32 v34, v54  }
0x9e: {  	[tilespmem:$0x1FF90] =	vst v61  }
0x9f: {  	s28 =	sshra.s32 s26, $0x2;
	[tilespmem:$0x1FFD0] =	vst v0;
	v0 =	vld [tilespmem:$0x1FFE0]  }
0xa0: {  	v14 =	vadd.f32 v14, v59;
	v1 =	vmov v42;
	v42 =	vld [tilespmem:s28+$0xC90];
	[tilespmem:s23+$0x2E90] =	vst v45  }
0xa1: {  	v60 =	vmul.f32 v13, v18;
	v59 =	vmov v13;
	v13 =	vadd.f32 v33, v53;
	[tilespmem:$0x1FFB0] =	vst v1  }
0xa2: {  	[tilespmem:s23+$0x2F90] =	vst v14;
	v14 =	vadd.f32 v47, v44  }
0xa3: {  	[tilespmem:s23+$0x4790] =	vst v13  }
0xa4: {  	v56 =	vmov v6;
	s29 =	smov.u32 s25;
	v6 =	vmul.f32 v9, v12;
	v15 =	vld [tilespmem:s24+$0x2810];
	[tilespmem:s23+$0x4810] =	vst v14;
	v1 =	vadd.f32 v0, v51  }
0xa5: {  	v41 =	vmul.f32 v41, v18;
	s31 =	sand.u32 $0x600, s26;
	v11 =	vmul.f32 v34, v17;
	s29 =	sand.u32 $0x70, s29;
	v33 =	vadd.f32 v60, v58;
	v58 =	vld [tilespmem:s24+$0x2010];
	[tilespmem:s23+$0x3690] =	vst v57  }
0xa6: {  	v61 =	vmul.f32 v2, v54;
	v46 =	vadd.f32 v6, v46;
	s28 =	sor.u32 s29, s31;
	v6 =	vadd.f32 v63, v55;
	v57 =	vld [tilespmem:s24+$0x1010];
	[tilespmem:s23+$0x3710] =	vst v1  }
0xa7: {  	v62 =	vmov v19;
	v49 =	vmul.f32 v4, v54;
	v19 =	vmul.f32 v59, v12;
	v55 =	vld [tilespmem:s28+$0x1790];
	[tilespmem:s23+$0x3F10] =	vst v27  }
0xa8: {  	v45 =	vmul.f32 v2, v3;
	v53 =	vmul.f32 v24, v26;
	v27 =	vld [tilespmem:s28+$0xF90];
	[tilespmem:s23+$0x3F90] =	vst v6;
	s23 =	smov.u32 s24;
	s24 =	smov.u32 s28  }
0xa9: {  	v63 =	vmul.f32 v62, v26;
	v13 =	vmul.f32 v28, v20;
	v5 =	vadd.f32 v19, v48;
	v0 =	vmovc v29;
	v6 =	vld [tilespmem:s24+$0x1E90]  }
0xaa: {  	v28 =	vadd.f32 v61, v33;
	v44 =	vmul.f32 v7, v31;
	[tilespmem:$0x1FFE0] =	vst v0;
	v0 =	vadd.s32 $0xA00, v42;
	v7 =	vld [tilespmem:s24+$0x1F90]  }
0xab: {  	v48 =	vmul.f32 v9, v10;
	v9 =	vmul.f32 v9, v18;
	v43 =	vadd.f32 v43, v13;
	v13 =	vld [tilespmem:s24+$0x1710]  }
0xac: {  	v26 =	vmul.f32 v56, v26;
	v39 =	vadd.s32 $0x900, v42;
	v50 =	vadd.f32 v28, v50;
	v19 =	vld [tilespmem:s24+$0x2690]  }
0xad: {  	v33 =	vmul.f32 v34, v3;
	v54 =	vadd.s32 $0x700, v42;
	v52 =	vadd.f32 v9, v52;
	v9 =	vld [tilespmem:s24+$0x1F10]  }
0xae: {  	v46 =	vadd.f32 v44, v46;
	v44 =	vmul.f32 v4, v31;
	v29 =	vadd.s32 $0x400, v42;
	v28 =	vld [tilespmem:s24+$0x1690];
	[tilespmem:s23+$0x3810] =	vst v50  }
0xaf: {  	v37 =	vadd.f32 v37, v52;
	v52 =	vmul.f32 v2, v31;
	v1 =	vmul.f32 v34, v31;
	v3 =	vld.idx.msk [tilespmem:v0+s19+$0x0], $0xffff  }
0xb0: {  	v14 =	vmovc v38;
	v38 =	vadd.s32 $0x600, v42;
	v0 =	vmul.f32 v24, v25;
	v25 =	vmul.f32 v24, v8;
	v8 =	vld.idx.msk [tilespmem:v42+s19+$0x0], $0xffff  }
0xb1: {  	v51 =	vadd.s32 $0x300, v42;
	v31 =	vmul.f32 v24, v20;
	v50 =	vmul.f32 v32, v21;
	v17 =	vld.idx.msk [tilespmem:v39+s19+$0x0], $0xffff  }
0xb2: {  	v21 =	vadd.f32 v48, v26;
	v48 =	vmul.f32 v32, v10;
	v24 =	vmul.f32 v59, v10;
	v10 =	vld [tilespmem:$0x1FFF0]  }
0xb3: {  	v47 =	vmovc v23;
	v36 =	vadd.f32 v36, v53;
	v60 =	vadd.s32 $0xB00, v42;
	v26 =	vmul.f32 v32, v12;
	v12 =	vld.idx.msk [tilespmem:v29+s19+$0x0], $0xffff  }
0xb4: {  	v23 =	vmovc v16;
	v61 =	vadd.s32 $0x100, v42;
	v39 =	vmul.f32 v32, v18;
	v0 =	vadd.f32 v41, v0;
	v41 =	vld [tilespmem:s24+$0xF10];
	[tilespmem:s23+$0x3E90] =	vst v46  }
0xb5: {  	v40 =	vadd.s32 $0x500, v42;
	v18 =	vadd.f32 v22, v25;
	v4 =	vmovc v27;
	v27 =	vadd.f32 v30, v21;
	v21 =	vld.idx.msk [tilespmem:v38+s19+$0x0], $0xffff  }
0xb6: {  	v16 =	vmovc v35;
	v35 =	vadd.s32 $0x200, v42;
	v2 =	vmul.f32 v62, v20;
	v34 =	vadd.f32 v45, v43;
	v25 =	vld.idx.msk [tilespmem:v51+s19+$0x0], $0xffff  }
0xb7: {  	v45 =	vadd.f32 v44, v18;
	v18 =	vld.idx.msk [tilespmem:v54+s19+$0x0], $0xffff;
	v62 =	vadd.f32 v26, v10;
	v10 =	vmul.f32 v19, v8  }
0xb8: {  	v32 =	vadd.f32 v23, v36;
	v54 =	vld.idx.msk [tilespmem:v60+s19+$0x0], $0xffff  }
0xb9: {  	v30 =	vmul.f32 v56, v20;
	v20 =	vadd.f32 v48, v63;
	v26 =	vld.idx.msk [tilespmem:v61+s19+$0x0], $0xffff;
	[tilespmem:$0x1FFF0] =	vst v10  }
0xba: {  	v51 =	vadd.f32 v24, v47;
	v0 =	vadd.f32 v49, v0;
	v10 =	vld.idx.msk [tilespmem:v40+s19+$0x0], $0xffff;
	[tilespmem:s23+$0x3790] =	vst v34  }
0xbb: {  	v56 =	vadd.f32 v1, v62;
	v1 =	vadd.f32 v11, v20;
	v24 =	vld [tilespmem:s24+$0xE90];
	[tilespmem:s23+$0x2F10] =	vst v32  }
0xbc: {  	v20 =	vld.idx.msk [tilespmem:v35+s19+$0x0], $0xffff  }
0xbd: {  	v0 =	vadd.f32 v0, v57;
	v32 =	vld [tilespmem:s24+$0x2710];
	[tilespmem:s23+$0x4710] =	vst v1  }
0xbe: {  	v34 =	vld [tilespmem:s24+$0x2790]  }
0xbf: {  	[tilespmem:s23+$0x3010] =	vst v0;
	v0 =	vld [tilespmem:$0x1FFB0];
	_ =	sdelay $0x3  }
0xc0: {  	[tilespmem:$0x1FFC0] =	vst v5  }
0xc1: {  	v53 =	vadd.f32 v50, v2;
	v2 =	vmovc v55;
	v29 =	vmul.f32 v55, v17;
	v55 =	vadd.f32 v0, v30;
	v0 =	vld [tilespmem:$0x1FFC0];
	_ =	sdelay $0x2  }
0xc2: {  	v63 =	vmov v16;
	v46 =	vmul.f32 v6, v8;
	v16 =	vmul.f32 v4, v17;
	v1 =	vld [tilespmem:$0x1FFA0]  }
0xc3: {  	v5 =	vadd.s32 $0x800, v42;
	v44 =	vmovc v15;
	v15 =	vld [tilespmem:$0x1FF90];
	v48 =	vmul.f32 v28, v8;
	v38 =	vmul.f32 v4, v3  }
0xc4: {  	p0 =	sne.s32 s25, $0x1F0;
	v22 =	vmul.f32 v41, v12;
	v43 =	vmul.f32 v13, v21;
	v57 =	vadd.f32 v52, v0;
	v0 =	vld [tilespmem:$0x1FFD0]  }
.Ltmp0:
0xc5: {  	v42 =	vmul.f32 v9, v21;
	v49 =	vmul.f32 v19, v25;
	(pc) =	sbr.rel @p0 .LBB2_2-.Ltmp0, $4  }
0xc6: {  	v11 =	vadd.f32 v37, v58;
	v61 =	vmul.f32 v41, v21;
	v58 =	vmul.f32 v28, v25  }
0xc7: {  	v35 =	vmul.f32 v7, v3;
	v37 =	vmul.f32 v7, v54;
	v1 =	vadd.f32 v39, v1  }
0xc8: {  	v59 =	vadd.f32 v15, v31;
	v23 =	vmul.f32 v28, v26;
	v31 =	vld.idx.msk [tilespmem:v5+s19+$0x0], $0xffff;
	v36 =	vmul.f32 v41, v10  }
0xc9: {  	s25 =	sadd.s32 $0x10, s25;
	s26 =	sadd.s32 $0x40, s26;
	v50 =	vld [tilespmem:s24+$0x1810];
	[tilespmem:s23+$0x4010] =	vst v11;
	v30 =	vmul.f32 v7, v17;
	v52 =	vmul.f32 v6, v25;
	v47 =	vadd.f32 v0, v1  }
0xca: {  	v0 =	vmul.f32 v13, v18;
	v1 =	vmul.f32 v2, v54  }
0xcb: {  	v11 =	vmul.f32 v4, v54;
	v60 =	vmul.f32 v9, v12  }
0xcc: {  	v39 =	vmul.f32 v13, v12;
	v40 =	vmul.f32 v34, v54  }
0xcd: {  	v5 =	vadd.f32 v14, v59;
	v41 =	vmul.f32 v41, v18;
	v62 =	vmul.f32 v24, v26  }
0xce: {  	v33 =	vadd.f32 v33, v53;
	[tilespmem:s23+$0x4690] =	vst v56;
	v28 =	vmul.f32 v28, v20;
	v53 =	vmul.f32 v19, v26  }
0xcf: {  	[tilespmem:s23+$0x2E90] =	vst v45;
	v17 =	vmul.f32 v34, v17;
	v21 =	vmul.f32 v32, v21  }
0xd0: {  	v8 =	vmul.f32 v24, v8;
	v44 =	vadd.f32 v47, v44;
	v0 =	vadd.f32 v0, v58;
	[tilespmem:s23+$0x2F90] =	vst v5  }
0xd1: {  	v45 =	vmul.f32 v32, v18;
	v14 =	vadd.f32 v60, v46;
	v39 =	vadd.f32 v39, v48;
	v5 =	vld [tilespmem:$0x1FFE0];
	[tilespmem:s23+$0x4790] =	vst v33  }
0xd2: {  	v48 =	vadd.f32 v63, v55;
	v28 =	vadd.f32 v43, v28;
	[tilespmem:s23+$0x4810] =	vst v44;
	v7 =	vmul.f32 v7, v31  }
0xd3: {  	v47 =	vmul.f32 v2, v3;
	v60 =	vadd.f32 v36, v62;
	[tilespmem:s23+$0x3690] =	vst v57;
	v0 =	vadd.f32 v1, v0  }
0xd4: {  	v58 =	vmul.f32 v24, v25;
	v8 =	vadd.f32 v22, v8;
	[tilespmem:s23+$0x3F10] =	vst v27;
	v56 =	vadd.f32 v7, v14  }
0xd5: {  	v59 =	vld [tilespmem:s24+$0x1010];
	v62 =	vmul.f32 v32, v10;
	[tilespmem:s23+$0x3F90] =	vst v48;
	v28 =	vadd.f32 v47, v28;
	v0 =	vadd.f32 v0, v50  }
0xd6: {  	v55 =	vmul.f32 v34, v31;
	v7 =	vadd.f32 v41, v58;
	[tilespmem:s24+$0x3E90] =	vst v56;
	v5 =	vadd.f32 v5, v51  }
0xd7: {  	v57 =	vmul.f32 v4, v31;
	v1 =	vadd.f32 v62, v53;
	v43 =	vadd.f32 v16, v60;
	[tilespmem:s24+$0x3810] =	vst v0  }
0xd8: {  	v47 =	vmul.f32 v24, v20;
	v53 =	vmul.f32 v13, v10;
	v7 =	vadd.f32 v11, v7;
	[tilespmem:s23+$0x3710] =	vst v5  }
0xd9: {  	v4 =	vadd.f32 v57, v8;
	v1 =	vadd.f32 v17, v1;
	v56 =	vmul.f32 v2, v31;
	v15 =	vld [tilespmem:$0x1FFF0];
	[tilespmem:s24+$0x3790] =	vst v28  }
0xda: {  	v58 =	vadd.f32 v53, v23;
	v51 =	vmul.f32 v9, v18;
	v7 =	vadd.f32 v7, v59;
	[tilespmem:s24+$0x2F10] =	vst v43  }
0xdb: {  	v48 =	vmul.f32 v19, v20;
	v11 =	vadd.f32 v45, v49;
	v60 =	vadd.f32 v56, v39;
	[tilespmem:s24+$0x4710] =	vst v1  }
0xdc: {  	v63 =	vld [tilespmem:s24+$0x2010];
	v33 =	vmul.f32 v32, v12;
	v54 =	vadd.f32 v51, v52;
	v51 =	vadd.f32 v61, v47;
	[tilespmem:s24+$0x3010] =	vst v7  }
0xdd: {  	v46 =	vld [tilespmem:s24+$0x2810];
	v62 =	vadd.f32 v29, v58;
	v52 =	vmul.f32 v34, v3;
	v5 =	vadd.f32 v21, v48;
	[tilespmem:s24+$0x2E90] =	vst v4  }
0xde: {  	v50 =	vmul.f32 v9, v10;
	[tilespmem:s24+$0x3690] =	vst v60;
	v9 =	vadd.f32 v38, v51;
	v0 =	vadd.f32 v33, v15  }
0xdf: {  	v57 =	vmul.f32 v6, v20;
	[tilespmem:s24+$0x3710] =	vst v62;
	v41 =	vadd.f32 v37, v54;
	v3 =	vadd.f32 v52, v5  }
0xe0: {  	v54 =	vadd.f32 v40, v11;
	[tilespmem:s24+$0x2F90] =	vst v9;
	v0 =	vadd.f32 v55, v0;
	v55 =	vmul.f32 v6, v26  }
0xe1: {  	v61 =	vadd.f32 v42, v57;
	v12 =	vadd.f32 v41, v63;
	[tilespmem:s24+$0x4790] =	vst v3  }
0xe2: {  	v59 =	vadd.f32 v54, v46;
	[tilespmem:s24+$0x4690] =	vst v0;
	v0 =	vadd.f32 v50, v55  }
0xe3: {  	v63 =	vadd.f32 v35, v61;
	[tilespmem:s24+$0x4010] =	vst v12  }
0xe4: {  	s22 =	sadd.s32 $0x1, s22;
	[tilespmem:s24+$0x4810] =	vst v59;
	v0 =	vadd.f32 v30, v0  }
0xe5: {  	p0 =	sne.s32 s22, s9;
	[tilespmem:s24+$0x3F90] =	vst v63  }
.Ltmp1:
0xe6: {  	[tilespmem:s24+$0x3F10] =	vst v0;
	(pc) =	sbr.rel @p0 .LBB2_1-.Ltmp1, $4  }
0xe7: {  	[hbm4b:s8+s13] =	stream.strided.scatter [tilespmem:s21], [sflag:$0x3], $0x2000, s14, s13, $0x38;
	[tilespmem:$0x5010] =	vst v63  }
0xe8: {  	_ =	swait.ge [sflag:s18], $0x2000  }
0xe9: {  	[sflag:s18] =	ssyncset.done $0x0  }
0xea: {  	[sflag:s18] =	ssyncadd.s32 $0xFFFFE000  }
0xeb: {  	_ =	sfence.sel $0x180000  }
0xec: {  	[bflag:$0x0] =	sbarrier.arrive $0xFFFF  }
0xed: {  	p0 =	sne.s32 s1, $0x0;
	_ =	strace $0x90000047  }
0xee: {  	s0 =	sadd.s32 @!p0 $0x100000, s0;
	[bflag:$0x2] =	sbarrier.arrive $0xFFFF  }
0xef: {  	[sflag:s0] =	ssyncadd.tile.s32 @!p0 $0x1;
	_ =	shalt  }
.Lfunc_end2:
_tile_overlayer_lowered:
.L_overlay_start_2:
0xf0: {  	(tag) =	ssettag $0x2  }
0xf1: {  	s0 =	rddreg [dreg:$0x0];
	s2 =	stileid.u32  }
0xf2: {  	s1 =	rddreg [dreg:$0x1];
	p0 =	sne.s32 s2, $0x0  }
0xf3: {  	s3 =	rddreg [dreg:$0x2];
	[bflag:$0x3] =	sbarrier.arrive $0xFFFF;
	s2 =	simm.s32 @!p0 $0x1C03  }
0xf4: {  	[timem:s3], [sflag:s2] =	dma.local @!p0 [hbm:s0], s1  }
0xf5: {  	s0 =	simm.s32 @!p0 $0x3  }
0xf6: {  	_ =	swait.ge @!p0 [sflag:s0], s1  }
0xf7: {  	s1 =	ssub.s32 @!p0 $0x0, s1;
	[sflag:s0] =	ssyncset.done @!p0 $0x0  }
0xf8: {  	[sflag:s0] =	ssyncadd.s32 @!p0 s1  }
0xf9: {  	[bflag:$0x3] =	sbarrier.arrive $0xFFFF  }
0xfa: {  	_ =	shalt  }

</sc_bundles>
